<compile_context>
chip_gen: v7x
topology: tpu7x:2x2x1
jax: 0.10.2.dev20260603
libtpu: 0.0.44.dev20260713+nightly
codegen_flags: <defaults>
</compile_context>

<pallas_src>
import jax
import jax.numpy as jnp
from jax import lax
from jax.experimental import pallas as pl
from jax.experimental.pallas import tpu as pltpu
from jax.experimental.pallas import tpu_sc as plsc

B, C, H, W = 64, 4, 128, 128
P = H * W
NC, NS, L = 2, 16, 16
NW = NC * NS
BPW = B // NW
ROWS = 32
NCHUNK = H // ROWS
NT = BPW * NCHUNK
GPR = W // L


def _body(ltrb, scales, out, in_v, out_v, sc_v,
          in_sem0, in_sem1, out_sem0, out_sem1):
    wid = lax.axis_index("s") * NC + lax.axis_index("c")
    b0 = wid * BPW
    in_sems = [in_sem0, in_sem1]
    out_sems = [out_sem0, out_sem1]

    pltpu.sync_copy(scales, sc_v)
    iota = lax.iota(jnp.int32, L)
    colf = [(iota + g * L).astype(jnp.float32) + 0.5 for g in range(GPR)]

    def start_in_dyn(j, s):
        i = j // NCHUNK
        k = j % NCHUNK
        pltpu.async_copy(
            ltrb.at[b0 + i, :, pl.ds(k * ROWS, ROWS), :],
            in_v.at[s],
            in_sems[s],
        )

    def wait_in(s):
        pltpu.make_async_copy(
            ltrb.at[b0, :, pl.ds(0, ROWS), :], in_v.at[s], in_sems[s]
        ).wait()

    def start_out_dyn(j, s):
        i = j // NCHUNK
        k = j % NCHUNK
        pltpu.async_copy(
            out_v.at[s],
            out.at[b0 + i, pl.ds(k * ROWS * C, ROWS * C), :],
            out_sems[s],
        )

    def wait_out(s):
        pltpu.make_async_copy(
            out_v.at[s], out.at[b0, pl.ds(0, ROWS * C), :], out_sems[s]
        ).wait()

    start_in_dyn(0, 0)
    start_in_dyn(1, 1)

    def outer_body(t, carry):
        for s in range(2):
            j = 2 * t + s

            @pl.when(t > 0)
            def _drain_out():
                wait_out(s)

            wait_in(s)

            i = j // NCHUNK
            k = j % NCHUNK
            bvec = jnp.full((L,), b0 + i, jnp.int32)
            syv = plsc.load_gather(sc_v, [bvec, jnp.full((L,), 0, jnp.int32)])
            sxv = plsc.load_gather(sc_v, [bvec, jnp.full((L,), 1, jnp.int32)])
            cxg = [colf[g] * sxv for g in range(GPR)]

            @plsc.parallel_loop(0, ROWS, unroll=4)
            def row_body(r):
                y = k * ROWS + r
                cy = (jnp.full((L,), y, jnp.int32).astype(jnp.float32)
                      + 0.5) * syv
                r4 = r * C
                for g in range(GPR):
                    gs = pl.ds(g * L, L)
                    lv = in_v[s, 0, r, gs]
                    tv = in_v[s, 1, r, gs]
                    rv = in_v[s, 2, r, gs]
                    bv = in_v[s, 3, r, gs]
                    out_v[s, r4 + 0, gs] = cxg[g] - lv
                    out_v[s, r4 + 1, gs] = cy - tv
                    out_v[s, r4 + 2, gs] = cxg[g] + rv
                    out_v[s, r4 + 3, gs] = cy + bv

            @pl.when(t < NT // 2 - 1)
            def _prefetch():
                start_in_dyn(j + 2, s)

            start_out_dyn(j, s)
        return carry

    lax.fori_loop(0, NT // 2, outer_body, 0)
    for s in range(2):
        wait_out(s)


@jax.jit
def _decode(ltrb_map, scales):
    mesh = plsc.VectorSubcoreMesh(
        core_axis_name="c", subcore_axis_name="s", num_cores=NC, num_subcores=NS
    )
    return pl.kernel(
        _body,
        mesh=mesh,
        compiler_params=pltpu.CompilerParams(needs_layout_passes=False),
        out_type=jax.ShapeDtypeStruct((B, H * C, W), jnp.float32),
        scratch_types=[
            pltpu.VMEM((2, C, ROWS, W), jnp.float32),
            pltpu.VMEM((2, ROWS * C, W), jnp.float32),
            pltpu.VMEM((B, 2), jnp.float32),
            pltpu.SemaphoreType.DMA,
            pltpu.SemaphoreType.DMA,
            pltpu.SemaphoreType.DMA,
            pltpu.SemaphoreType.DMA,
        ],
    )(ltrb_map, scales)


def kernel(ltrb_map, scales):
    b, c, h, w = ltrb_map.shape
    out = _decode(ltrb_map, scales)
    return out.reshape(b, h, c, w).transpose(0, 1, 3, 2).reshape(b, h * w, c)

# --- scband reference (transcript-rebuilt; emitter-appended) ---
"""Pipeline reference for scband-fcos-detections-codec-6210522710111 (READ-ONLY COPY).

The authoritative reference and input builder live on the scoring server;
editing this copy changes nothing except your own understanding.
"""

import jax, jax.numpy as jnp
import numpy as np

B, H, W = 64, 128, 128

def setup_inputs(seed: int = 0) -> dict:
    key = jax.random.key(seed)
    k1, k2 = jax.random.split(key)
    ltrb_map = jax.random.uniform(k1, (B, 4, H, W), dtype=jnp.float32)
    scales = jnp.ones((B, 2), dtype=jnp.float32)
    return {"ltrb_map": ltrb_map, "scales": scales}

def _generate_centers(map_h, map_w, scales):
    batch_size = scales.shape[0]
    y = jnp.arange(map_h, dtype=jnp.float32) + 0.5
    x = jnp.arange(map_w, dtype=jnp.float32) + 0.5
    grid_y, grid_x = jnp.meshgrid(y, x, indexing='ij')
    centers = jnp.concatenate([grid_y[..., None], grid_x[..., None]], axis=-1)[None, ...]
    centers = jnp.tile(centers, (batch_size, 1, 1, 1))
    centers = centers * scales[:, None, None, :]
    return centers

def reference(ltrb_map, scales):
    b, _, h, w = ltrb_map.shape
    ltrb = jnp.transpose(ltrb_map, (0, 2, 3, 1))
    centers = _generate_centers(h, w, scales)
    centers_y = centers[:, :, :, 0][..., None]
    centers_x = centers[:, :, :, 1][..., None]
    xmin = centers_x - ltrb[:, :, :, 0, None]
    ymin = centers_y - ltrb[:, :, :, 1, None]
    xmax = centers_x + ltrb[:, :, :, 2, None]
    ymax = centers_y + ltrb[:, :, :, 3, None]
    boxes = jnp.concatenate([xmin, ymin, xmax, ymax], axis=-1)
    return jnp.reshape(boxes, (b, h * w, -1))

if __name__ == "__main__":
    import jax
    _d = setup_inputs()
    print(jax.jit(kernel)(*tuple(_d.values())))

</pallas_src>

<mosaic_0001>
#map = affine_map<(d0, d1) -> (0, 0, 0, 0)>
#map1 = affine_map<(d0, d1) -> (0, 0)>
#map2 = affine_map<(d0, d1) -> (0, 0, 0)>
module attributes {stable_mosaic.version = 14 : i64} {
  func.func @_body(%arg0: i32, %arg1: i32, %arg2: memref<64x4x128x128xf32, #tpu.memory_space<hbm>>, %arg3: memref<64x2xf32, #tpu.memory_space<hbm>>, %arg4: memref<64x512x128xf32, #tpu.memory_space<hbm>>, %arg5: memref<2x4x32x128xf32, #tpu.memory_space<vmem>>, %arg6: memref<2x128x128xf32, #tpu.memory_space<vmem>>, %arg7: memref<64x2xf32, #tpu.memory_space<vmem>>, %arg8: memref<!tpu.dma_semaphore, #tpu.memory_space<semaphore_mem>>, %arg9: memref<!tpu.dma_semaphore, #tpu.memory_space<semaphore_mem>>, %arg10: memref<!tpu.dma_semaphore, #tpu.memory_space<semaphore_mem>>, %arg11: memref<!tpu.dma_semaphore, #tpu.memory_space<semaphore_mem>>) attributes {dimension_semantics = [#tpu.dimension_semantics<core_parallel>, #tpu.dimension_semantics<subcore_parallel>], iteration_bounds = array<i64: 2, 16>, scalar_prefetch = 0 : i64, scratch_operands = 7 : i64, tpu.core_type = #tpu.core_type<sc_vector_subcore>, window_params = [{transform_indices = #map}, {transform_indices = #map1}, {transform_indices = #map2}]} {
    %mul3A = arith.constant 2 : i32
    %mul3A_0 = arith.muli %arg1, %mul3A : i32
    %add3A = arith.addi %mul3A_0, %arg0 : i32
    %mul3A_1 = arith.constant 2 : i32
    %mul3A_2 = arith.muli %add3A, %mul3A_1 : i32
    "tpu.region"() ({
      %run_scoped3A = tpu.sem_alloc : memref<!tpu.dma_semaphore, #tpu.memory_space<semaphore_mem>>
      tpu.enqueue_dma source(%arg3 : memref<64x2xf32, #tpu.memory_space<hbm>>) target(%arg7 : memref<64x2xf32, #tpu.memory_space<vmem>>) target_semaphore(%run_scoped3A : memref<!tpu.dma_semaphore, #tpu.memory_space<semaphore_mem>>)
      tpu.wait_dma2 semaphore(%run_scoped3A : memref<!tpu.dma_semaphore, #tpu.memory_space<semaphore_mem>>) src(%arg3 : memref<64x2xf32, #tpu.memory_space<hbm>>) dst(%arg7 : memref<64x2xf32, #tpu.memory_space<vmem>>)
      tpu.yield
    }) : () -> ()
    %iota3A = tpu.iota {dimensions = array<i32: 0>} : vector<16xi32>
    %add3A_3 = arith.constant 0 : i32
    %add3A_4 = vector.broadcast %add3A_3 : i32 to vector<16xi32>
    %add3A_5 = arith.addi %iota3A, %add3A_4 : vector<16xi32>
    %convert_element_type3A = arith.sitofp %add3A_5 : vector<16xi32> to vector<16xf32>
    %add3A_6 = arith.constant 5.000000e-01 : f32
    %add3A_7 = vector.broadcast %add3A_6 : f32 to vector<16xf32>
    %add3A_8 = arith.addf %convert_element_type3A, %add3A_7 : vector<16xf32>
    %add3A_9 = arith.constant 16 : i32
    %add3A_10 = vector.broadcast %add3A_9 : i32 to vector<16xi32>
    %add3A_11 = arith.addi %iota3A, %add3A_10 : vector<16xi32>
    %convert_element_type3A_12 = arith.sitofp %add3A_11 : vector<16xi32> to vector<16xf32>
    %add3A_13 = arith.constant 5.000000e-01 : f32
    %add3A_14 = vector.broadcast %add3A_13 : f32 to vector<16xf32>
    %add3A_15 = arith.addf %convert_element_type3A_12, %add3A_14 : vector<16xf32>
    %add3A_16 = arith.constant 32 : i32
    %add3A_17 = vector.broadcast %add3A_16 : i32 to vector<16xi32>
    %add3A_18 = arith.addi %iota3A, %add3A_17 : vector<16xi32>
    %convert_element_type3A_19 = arith.sitofp %add3A_18 : vector<16xi32> to vector<16xf32>
    %add3A_20 = arith.constant 5.000000e-01 : f32
    %add3A_21 = vector.broadcast %add3A_20 : f32 to vector<16xf32>
    %add3A_22 = arith.addf %convert_element_type3A_19, %add3A_21 : vector<16xf32>
    %add3A_23 = arith.constant 48 : i32
    %add3A_24 = vector.broadcast %add3A_23 : i32 to vector<16xi32>
    %add3A_25 = arith.addi %iota3A, %add3A_24 : vector<16xi32>
    %convert_element_type3A_26 = arith.sitofp %add3A_25 : vector<16xi32> to vector<16xf32>
    %add3A_27 = arith.constant 5.000000e-01 : f32
    %add3A_28 = vector.broadcast %add3A_27 : f32 to vector<16xf32>
    %add3A_29 = arith.addf %convert_element_type3A_26, %add3A_28 : vector<16xf32>
    %add3A_30 = arith.constant 64 : i32
    %add3A_31 = vector.broadcast %add3A_30 : i32 to vector<16xi32>
    %add3A_32 = arith.addi %iota3A, %add3A_31 : vector<16xi32>
    %convert_element_type3A_33 = arith.sitofp %add3A_32 : vector<16xi32> to vector<16xf32>
    %add3A_34 = arith.constant 5.000000e-01 : f32
    %add3A_35 = vector.broadcast %add3A_34 : f32 to vector<16xf32>
    %add3A_36 = arith.addf %convert_element_type3A_33, %add3A_35 : vector<16xf32>
    %add3A_37 = arith.constant 80 : i32
    %add3A_38 = vector.broadcast %add3A_37 : i32 to vector<16xi32>
    %add3A_39 = arith.addi %iota3A, %add3A_38 : vector<16xi32>
    %convert_element_type3A_40 = arith.sitofp %add3A_39 : vector<16xi32> to vector<16xf32>
    %add3A_41 = arith.constant 5.000000e-01 : f32
    %add3A_42 = vector.broadcast %add3A_41 : f32 to vector<16xf32>
    %add3A_43 = arith.addf %convert_element_type3A_40, %add3A_42 : vector<16xf32>
    %add3A_44 = arith.constant 96 : i32
    %add3A_45 = vector.broadcast %add3A_44 : i32 to vector<16xi32>
    %add3A_46 = arith.addi %iota3A, %add3A_45 : vector<16xi32>
    %convert_element_type3A_47 = arith.sitofp %add3A_46 : vector<16xi32> to vector<16xf32>
    %add3A_48 = arith.constant 5.000000e-01 : f32
    %add3A_49 = vector.broadcast %add3A_48 : f32 to vector<16xf32>
    %add3A_50 = arith.addf %convert_element_type3A_47, %add3A_49 : vector<16xf32>
    %add3A_51 = arith.constant 112 : i32
    %add3A_52 = vector.broadcast %add3A_51 : i32 to vector<16xi32>
    %add3A_53 = arith.addi %iota3A, %add3A_52 : vector<16xi32>
    %convert_element_type3A_54 = arith.sitofp %add3A_53 : vector<16xi32> to vector<16xf32>
    %add3A_55 = arith.constant 5.000000e-01 : f32
    %add3A_56 = vector.broadcast %add3A_55 : f32 to vector<16xf32>
    %add3A_57 = arith.addf %convert_element_type3A_54, %add3A_56 : vector<16xf32>
    %add3A_58 = arith.constant 0 : i32
    %add3A_59 = arith.addi %mul3A_2, %add3A_58 : i32
    %dma_start3A = arith.constant 0 : i32
    %dma_start3A_60 = arith.constant 0 : i32
    %dma_start3A_61 = arith.constant 0 : i32
    %dma_start3A_62 = arith.constant 0 : i32
    %dma_start3A_63 = tpu.memref_slice %arg5[%dma_start3A, %dma_start3A_60, %dma_start3A_61, %dma_start3A_62] : memref<2x4x32x128xf32, #tpu.memory_space<vmem>> -> memref<1x4x32x128xf32, #tpu.memory_space<vmem>>
    %dma_start3A_64 = tpu.memref_squeeze %dma_start3A_63 : memref<1x4x32x128xf32, #tpu.memory_space<vmem>> -> memref<4x32x128xf32, #tpu.memory_space<vmem>>
    %dma_start3A_65 = arith.constant 0 : i32
    %dma_start3A_66 = arith.constant 0 : i32
    %dma_start3A_67 = arith.constant 0 : i32
    %dma_start3A_68 = tpu.memref_slice %arg2[%add3A_59, %dma_start3A_65, %dma_start3A_66, %dma_start3A_67] : memref<64x4x128x128xf32, #tpu.memory_space<hbm>> -> memref<1x4x32x128xf32, #tpu.memory_space<hbm>>
    %dma_start3A_69 = tpu.memref_squeeze %dma_start3A_68 : memref<1x4x32x128xf32, #tpu.memory_space<hbm>> -> memref<4x32x128xf32, #tpu.memory_space<hbm>>
    %dma_start3A_70 = arith.constant 0 : i32
    %dma_start3A_71 = arith.constant 0 : i32
    %dma_start3A_72 = arith.constant 0 : i32
    %dma_start3A_73 = tpu.memref_slice %arg5[%dma_start3A, %dma_start3A_70, %dma_start3A_71, %dma_start3A_72] : memref<2x4x32x128xf32, #tpu.memory_space<vmem>> -> memref<1x4x32x128xf32, #tpu.memory_space<vmem>>
    %dma_start3A_74 = tpu.memref_squeeze %dma_start3A_73 : memref<1x4x32x128xf32, #tpu.memory_space<vmem>> -> memref<4x32x128xf32, #tpu.memory_space<vmem>>
    %dma_start3A_75 = arith.constant 0 : i32
    %dma_start3A_76 = arith.constant 0 : i32
    %dma_start3A_77 = arith.constant 0 : i32
    %dma_start3A_78 = tpu.memref_slice %arg2[%add3A_59, %dma_start3A_75, %dma_start3A_76, %dma_start3A_77] : memref<64x4x128x128xf32, #tpu.memory_space<hbm>> -> memref<1x4x32x128xf32, #tpu.memory_space<hbm>>
    %dma_start3A_79 = tpu.memref_squeeze %dma_start3A_78 : memref<1x4x32x128xf32, #tpu.memory_space<hbm>> -> memref<4x32x128xf32, #tpu.memory_space<hbm>>
    tpu.enqueue_dma source(%dma_start3A_79 : memref<4x32x128xf32, #tpu.memory_space<hbm>>) target(%dma_start3A_74 : memref<4x32x128xf32, #tpu.memory_space<vmem>>) target_semaphore(%arg8 : memref<!tpu.dma_semaphore, #tpu.memory_space<semaphore_mem>>)
    %add3A_80 = arith.constant 0 : i32
    %add3A_81 = arith.addi %mul3A_2, %add3A_80 : i32
    %dma_start3A_82 = arith.constant 1 : i32
    %dma_start3A_83 = arith.constant 0 : i32
    %dma_start3A_84 = arith.constant 0 : i32
    %dma_start3A_85 = arith.constant 0 : i32
    %dma_start3A_86 = tpu.memref_slice %arg5[%dma_start3A_82, %dma_start3A_83, %dma_start3A_84, %dma_start3A_85] : memref<2x4x32x128xf32, #tpu.memory_space<vmem>> -> memref<1x4x32x128xf32, #tpu.memory_space<vmem>>
    %dma_start3A_87 = tpu.memref_squeeze %dma_start3A_86 : memref<1x4x32x128xf32, #tpu.memory_space<vmem>> -> memref<4x32x128xf32, #tpu.memory_space<vmem>>
    %dma_start3A_88 = arith.constant 0 : i32
    %dma_start3A_89 = arith.constant 32 : i32
    %dma_start3A_90 = arith.constant 0 : i32
    %dma_start3A_91 = tpu.memref_slice %arg2[%add3A_81, %dma_start3A_88, %dma_start3A_89, %dma_start3A_90] : memref<64x4x128x128xf32, #tpu.memory_space<hbm>> -> memref<1x4x32x128xf32, #tpu.memory_space<hbm>>
    %dma_start3A_92 = tpu.memref_squeeze %dma_start3A_91 : memref<1x4x32x128xf32, #tpu.memory_space<hbm>> -> memref<4x32x128xf32, #tpu.memory_space<hbm>>
    %dma_start3A_93 = arith.constant 0 : i32
    %dma_start3A_94 = arith.constant 0 : i32
    %dma_start3A_95 = arith.constant 0 : i32
    %dma_start3A_96 = tpu.memref_slice %arg5[%dma_start3A_82, %dma_start3A_93, %dma_start3A_94, %dma_start3A_95] : memref<2x4x32x128xf32, #tpu.memory_space<vmem>> -> memref<1x4x32x128xf32, #tpu.memory_space<vmem>>
    %dma_start3A_97 = tpu.memref_squeeze %dma_start3A_96 : memref<1x4x32x128xf32, #tpu.memory_space<vmem>> -> memref<4x32x128xf32, #tpu.memory_space<vmem>>
    %dma_start3A_98 = arith.constant 0 : i32
    %dma_start3A_99 = arith.constant 32 : i32
    %dma_start3A_100 = arith.constant 0 : i32
    %dma_start3A_101 = tpu.memref_slice %arg2[%add3A_81, %dma_start3A_98, %dma_start3A_99, %dma_start3A_100] : memref<64x4x128x128xf32, #tpu.memory_space<hbm>> -> memref<1x4x32x128xf32, #tpu.memory_space<hbm>>
    %dma_start3A_102 = tpu.memref_squeeze %dma_start3A_101 : memref<1x4x32x128xf32, #tpu.memory_space<hbm>> -> memref<4x32x128xf32, #tpu.memory_space<hbm>>
    tpu.enqueue_dma source(%dma_start3A_102 : memref<4x32x128xf32, #tpu.memory_space<hbm>>) target(%dma_start3A_97 : memref<4x32x128xf32, #tpu.memory_space<vmem>>) target_semaphore(%arg9 : memref<!tpu.dma_semaphore, #tpu.memory_space<semaphore_mem>>)
    %scan3A = arith.constant 0 : i32
    %scan3A_103 = arith.constant 0 : i32
    %scan3A_104 = arith.constant 4 : i32
    %scan3A_105 = arith.addi %scan3A_103, %scan3A_104 : i32
    %scan3A_106 = arith.constant 1 : i32
    scf.for %scan3A_141 = %scan3A_103 to %scan3A_105 step %scan3A_106  : i32 {
      %mul3A_142 = arith.constant 2 : i32
      %mul3A_143 = arith.muli %mul3A_142, %scan3A_141 : i32
      %add3A_144 = arith.constant 0 : i32
      %add3A_145 = arith.addi %mul3A_143, %add3A_144 : i32
      %gt3A = arith.constant 0 : i32
      %gt3A_146 = arith.cmpi sgt, %scan3A_141, %gt3A : i32
      %convert_element_type3A_147 = arith.extui %gt3A_146 : i1 to i32
      %cond3A = arith.constant 0 : i32
      %cond3A_148 = arith.cmpi ne, %convert_element_type3A_147, %cond3A : i32
      scf.if %cond3A_148 {
        %dma_wait3A_435 = arith.constant 0 : i32
        %dma_wait3A_436 = arith.constant 0 : i32
        %dma_wait3A_437 = arith.constant 0 : i32
        %dma_wait3A_438 = tpu.memref_slice %arg6[%dma_wait3A_435, %dma_wait3A_436, %dma_wait3A_437] : memref<2x128x128xf32, #tpu.memory_space<vmem>> -> memref<1x128x128xf32, #tpu.memory_space<vmem>>
        %dma_wait3A_439 = tpu.memref_squeeze %dma_wait3A_438 : memref<1x128x128xf32, #tpu.memory_space<vmem>> -> memref<128x128xf32, #tpu.memory_space<vmem>>
        %dma_wait3A_440 = arith.constant 0 : i32
        %dma_wait3A_441 = arith.constant 0 : i32
        %dma_wait3A_442 = tpu.memref_slice %arg4[%mul3A_2, %dma_wait3A_440, %dma_wait3A_441] : memref<64x512x128xf32, #tpu.memory_space<hbm>> -> memref<1x128x128xf32, #tpu.memory_space<hbm>>
        %dma_wait3A_443 = tpu.memref_squeeze %dma_wait3A_442 : memref<1x128x128xf32, #tpu.memory_space<hbm>> -> memref<128x128xf32, #tpu.memory_space<hbm>>
        %dma_wait3A_444 = arith.constant 0 : i32
        %dma_wait3A_445 = arith.constant 0 : i32
        %dma_wait3A_446 = tpu.memref_slice %arg4[%mul3A_2, %dma_wait3A_444, %dma_wait3A_445] : memref<64x512x128xf32, #tpu.memory_space<hbm>> -> memref<1x128x128xf32, #tpu.memory_space<hbm>>
        %dma_wait3A_447 = tpu.memref_squeeze %dma_wait3A_446 : memref<1x128x128xf32, #tpu.memory_space<hbm>> -> memref<128x128xf32, #tpu.memory_space<hbm>>
        %dma_wait3A_448 = arith.constant 0 : i32
        %dma_wait3A_449 = arith.constant 0 : i32
        %dma_wait3A_450 = tpu.memref_slice %arg6[%dma_wait3A_435, %dma_wait3A_448, %dma_wait3A_449] : memref<2x128x128xf32, #tpu.memory_space<vmem>> -> memref<1x128x128xf32, #tpu.memory_space<vmem>>
        %dma_wait3A_451 = tpu.memref_squeeze %dma_wait3A_450 : memref<1x128x128xf32, #tpu.memory_space<vmem>> -> memref<128x128xf32, #tpu.memory_space<vmem>>
        tpu.wait_dma2 semaphore(%arg10 : memref<!tpu.dma_semaphore, #tpu.memory_space<semaphore_mem>>) src(%dma_wait3A_451 : memref<128x128xf32, #tpu.memory_space<vmem>>) dst(%dma_wait3A_447 : memref<128x128xf32, #tpu.memory_space<hbm>>)
      } else {
      }
      %dma_wait3A_149 = arith.constant 0 : i32
      %dma_wait3A_150 = arith.constant 0 : i32
      %dma_wait3A_151 = arith.constant 0 : i32
      %dma_wait3A_152 = arith.constant 0 : i32
      %dma_wait3A_153 = tpu.memref_slice %arg5[%dma_wait3A_149, %dma_wait3A_150, %dma_wait3A_151, %dma_wait3A_152] : memref<2x4x32x128xf32, #tpu.memory_space<vmem>> -> memref<1x4x32x128xf32, #tpu.memory_space<vmem>>
      %dma_wait3A_154 = tpu.memref_squeeze %dma_wait3A_153 : memref<1x4x32x128xf32, #tpu.memory_space<vmem>> -> memref<4x32x128xf32, #tpu.memory_space<vmem>>
      %dma_wait3A_155 = arith.constant 0 : i32
      %dma_wait3A_156 = arith.constant 0 : i32
      %dma_wait3A_157 = arith.constant 0 : i32
      %dma_wait3A_158 = tpu.memref_slice %arg2[%mul3A_2, %dma_wait3A_155, %dma_wait3A_156, %dma_wait3A_157] : memref<64x4x128x128xf32, #tpu.memory_space<hbm>> -> memref<1x4x32x128xf32, #tpu.memory_space<hbm>>
      %dma_wait3A_159 = tpu.memref_squeeze %dma_wait3A_158 : memref<1x4x32x128xf32, #tpu.memory_space<hbm>> -> memref<4x32x128xf32, #tpu.memory_space<hbm>>
      %dma_wait3A_160 = arith.constant 0 : i32
      %dma_wait3A_161 = arith.constant 0 : i32
      %dma_wait3A_162 = arith.constant 0 : i32
      %dma_wait3A_163 = tpu.memref_slice %arg5[%dma_wait3A_149, %dma_wait3A_160, %dma_wait3A_161, %dma_wait3A_162] : memref<2x4x32x128xf32, #tpu.memory_space<vmem>> -> memref<1x4x32x128xf32, #tpu.memory_space<vmem>>
      %dma_wait3A_164 = tpu.memref_squeeze %dma_wait3A_163 : memref<1x4x32x128xf32, #tpu.memory_space<vmem>> -> memref<4x32x128xf32, #tpu.memory_space<vmem>>
      %dma_wait3A_165 = arith.constant 0 : i32
      %dma_wait3A_166 = arith.constant 0 : i32
      %dma_wait3A_167 = arith.constant 0 : i32
      %dma_wait3A_168 = tpu.memref_slice %arg2[%mul3A_2, %dma_wait3A_165, %dma_wait3A_166, %dma_wait3A_167] : memref<64x4x128x128xf32, #tpu.memory_space<hbm>> -> memref<1x4x32x128xf32, #tpu.memory_space<hbm>>
      %dma_wait3A_169 = tpu.memref_squeeze %dma_wait3A_168 : memref<1x4x32x128xf32, #tpu.memory_space<hbm>> -> memref<4x32x128xf32, #tpu.memory_space<hbm>>
      tpu.wait_dma2 semaphore(%arg8 : memref<!tpu.dma_semaphore, #tpu.memory_space<semaphore_mem>>) src(%dma_wait3A_169 : memref<4x32x128xf32, #tpu.memory_space<hbm>>) dst(%dma_wait3A_164 : memref<4x32x128xf32, #tpu.memory_space<vmem>>)
      %jit3A = arith.constant 4 : i32
      %div3A = arith.divsi %add3A_145, %jit3A : i32
      %sign3A = arith.constant 0 : i32
      %sign3A_170 = arith.cmpi sgt, %add3A_145, %sign3A : i32
      %sign3A_171 = arith.extui %sign3A_170 : i1 to i32
      %sign3A_172 = arith.constant 0 : i32
      %sign3A_173 = arith.cmpi slt, %add3A_145, %sign3A_172 : i32
      %sign3A_174 = arith.extui %sign3A_173 : i1 to i32
      %sign3A_175 = arith.subi %sign3A_171, %sign3A_174 : i32
      %sign3A_176 = arith.constant 0 : i32
      %sign3A_177 = arith.cmpi sgt, %jit3A, %sign3A_176 : i32
      %sign3A_178 = arith.extui %sign3A_177 : i1 to i32
      %sign3A_179 = arith.constant 0 : i32
      %sign3A_180 = arith.cmpi slt, %jit3A, %sign3A_179 : i32
      %sign3A_181 = arith.extui %sign3A_180 : i1 to i32
      %sign3A_182 = arith.subi %sign3A_178, %sign3A_181 : i32
      %ne3A = arith.cmpi ne, %sign3A_175, %sign3A_182 : i32
      %rem3A = arith.remsi %add3A_145, %jit3A : i32
      %ne3A_183 = arith.constant 0 : i32
      %ne3A_184 = arith.cmpi ne, %rem3A, %ne3A_183 : i32
      %and3A = arith.andi %ne3A, %ne3A_184 : i1
      %sub3A = arith.constant 1 : i32
      %sub3A_185 = arith.subi %div3A, %sub3A : i32
      %select_n3A = arith.select %and3A, %sub3A_185, %div3A : i32
      %jit3A_186 = arith.constant 4 : i32
      %eq3A = arith.constant 0 : i32
      %eq3A_187 = arith.cmpi eq, %jit3A_186, %eq3A : i32
      %jit3A_188 = arith.constant 1 : i32
      %select_n3A_189 = arith.select %eq3A_187, %jit3A_188, %jit3A_186 : i32
      %rem3A_190 = arith.remsi %add3A_145, %select_n3A_189 : i32
      %ne3A_191 = arith.constant 0 : i32
      %ne3A_192 = arith.cmpi ne, %rem3A_190, %ne3A_191 : i32
      %lt3A = arith.constant 0 : i32
      %lt3A_193 = arith.cmpi slt, %rem3A_190, %lt3A : i32
      %lt3A_194 = arith.constant 0 : i32
      %lt3A_195 = arith.cmpi slt, %select_n3A_189, %lt3A_194 : i32
      %ne3A_196 = arith.xori %lt3A_193, %lt3A_195 : i1
      %and3A_197 = arith.andi %ne3A_196, %ne3A_192 : i1
      %add3A_198 = arith.addi %rem3A_190, %select_n3A_189 : i32
      %select_n3A_199 = arith.select %and3A_197, %add3A_198, %rem3A_190 : i32
      %add3A_200 = arith.addi %mul3A_2, %select_n3A : i32
      %broadcast_in_dim3A = vector.broadcast %add3A_200 : i32 to vector<16xi32>
      %broadcast_in_dim3A_201 = arith.constant 0 : i32
      %broadcast_in_dim3A_202 = vector.broadcast %broadcast_in_dim3A_201 : i32 to vector<16xi32>
      %gather3A = tpu.vector_load_idx %arg7[%broadcast_in_dim3A, %broadcast_in_dim3A_202] : memref<64x2xf32, #tpu.memory_space<vmem>>[vector<16xi32>, vector<16xi32>], vector<16xf32>,
      %broadcast_in_dim3A_203 = arith.constant 1 : i32
      %broadcast_in_dim3A_204 = vector.broadcast %broadcast_in_dim3A_203 : i32 to vector<16xi32>
      %gather3A_205 = tpu.vector_load_idx %arg7[%broadcast_in_dim3A, %broadcast_in_dim3A_204] : memref<64x2xf32, #tpu.memory_space<vmem>>[vector<16xi32>, vector<16xi32>], vector<16xf32>,
      %mul3A_206 = arith.mulf %add3A_8, %gather3A_205 : vector<16xf32>
      %mul3A_207 = arith.mulf %add3A_15, %gather3A_205 : vector<16xf32>
      %mul3A_208 = arith.mulf %add3A_22, %gather3A_205 : vector<16xf32>
      %mul3A_209 = arith.mulf %add3A_29, %gather3A_205 : vector<16xf32>
      %mul3A_210 = arith.mulf %add3A_36, %gather3A_205 : vector<16xf32>
      %mul3A_211 = arith.mulf %add3A_43, %gather3A_205 : vector<16xf32>
      %mul3A_212 = arith.mulf %add3A_50, %gather3A_205 : vector<16xf32>
      %mul3A_213 = arith.mulf %add3A_57, %gather3A_205 : vector<16xf32>
      %parallel_loop3A = arith.constant 0 : i32
      %parallel_loop3A_214 = arith.constant 32 : i32
      %parallel_loop3A_215 = arith.constant 1 : i32
      scf.for %parallel_loop3A_435 = %parallel_loop3A to %parallel_loop3A_214 step %parallel_loop3A_215  : i32 {
        %parallel_loop3A_436 = arith.constant 32 : i32
        %parallel_loop3A_437 = arith.muli %select_n3A_199, %parallel_loop3A_436 : i32
        %parallel_loop3A_438 = arith.addi %parallel_loop3A_437, %parallel_loop3A_435 : i32
        %parallel_loop3A_439 = vector.broadcast %parallel_loop3A_438 : i32 to vector<16xi32>
        %parallel_loop3A_440 = arith.sitofp %parallel_loop3A_439 : vector<16xi32> to vector<16xf32>
        %parallel_loop3A_441 = arith.constant 5.000000e-01 : f32
        %parallel_loop3A_442 = vector.broadcast %parallel_loop3A_441 : f32 to vector<16xf32>
        %parallel_loop3A_443 = arith.addf %parallel_loop3A_440, %parallel_loop3A_442 : vector<16xf32>
        %parallel_loop3A_444 = arith.mulf %parallel_loop3A_443, %gather3A : vector<16xf32>
        %parallel_loop3A_445 = arith.constant 4 : i32
        %parallel_loop3A_446 = arith.muli %parallel_loop3A_435, %parallel_loop3A_445 : i32
        %parallel_loop3A_447 = arith.constant 0 : i32
        %parallel_loop3A_448 = arith.constant 0 : i32
        %parallel_loop3A_449 = arith.index_cast %parallel_loop3A_447 : i32 to index
        %parallel_loop3A_450 = arith.index_cast %parallel_loop3A_448 : i32 to index
        %parallel_loop3A_451 = arith.index_cast %parallel_loop3A_435 : i32 to index
        %parallel_loop3A_452 = arith.constant 0 : index
        %parallel_loop3A_453 = tpu.vector_load %arg5[%parallel_loop3A_449, %parallel_loop3A_450, %parallel_loop3A_451, %parallel_loop3A_452] {strides = array<i32>} : memref<2x4x32x128xf32, #tpu.memory_space<vmem>>, vector<16xf32>,
        %parallel_loop3A_454 = arith.constant 0 : i32
        %parallel_loop3A_455 = arith.constant 1 : i32
        %parallel_loop3A_456 = arith.index_cast %parallel_loop3A_454 : i32 to index
        %parallel_loop3A_457 = arith.index_cast %parallel_loop3A_455 : i32 to index
        %parallel_loop3A_458 = arith.index_cast %parallel_loop3A_435 : i32 to index
        %parallel_loop3A_459 = arith.constant 0 : index
        %parallel_loop3A_460 = tpu.vector_load %arg5[%parallel_loop3A_456, %parallel_loop3A_457, %parallel_loop3A_458, %parallel_loop3A_459] {strides = array<i32>} : memref<2x4x32x128xf32, #tpu.memory_space<vmem>>, vector<16xf32>,
        %parallel_loop3A_461 = arith.constant 0 : i32
        %parallel_loop3A_462 = arith.constant 2 : i32
        %parallel_loop3A_463 = arith.index_cast %parallel_loop3A_461 : i32 to index
        %parallel_loop3A_464 = arith.index_cast %parallel_loop3A_462 : i32 to index
        %parallel_loop3A_465 = arith.index_cast %parallel_loop3A_435 : i32 to index
        %parallel_loop3A_466 = arith.constant 0 : index
        %parallel_loop3A_467 = tpu.vector_load %arg5[%parallel_loop3A_463, %parallel_loop3A_464, %parallel_loop3A_465, %parallel_loop3A_466] {strides = array<i32>} : memref<2x4x32x128xf32, #tpu.memory_space<vmem>>, vector<16xf32>,
        %parallel_loop3A_468 = arith.constant 0 : i32
        %parallel_loop3A_469 = arith.constant 3 : i32
        %parallel_loop3A_470 = arith.index_cast %parallel_loop3A_468 : i32 to index
        %parallel_loop3A_471 = arith.index_cast %parallel_loop3A_469 : i32 to index
        %parallel_loop3A_472 = arith.index_cast %parallel_loop3A_435 : i32 to index
        %parallel_loop3A_473 = arith.constant 0 : index
        %parallel_loop3A_474 = tpu.vector_load %arg5[%parallel_loop3A_470, %parallel_loop3A_471, %parallel_loop3A_472, %parallel_loop3A_473] {strides = array<i32>} : memref<2x4x32x128xf32, #tpu.memory_space<vmem>>, vector<16xf32>,
        %parallel_loop3A_475 = arith.subf %mul3A_206, %parallel_loop3A_453 : vector<16xf32>
        %parallel_loop3A_476 = arith.constant 0 : i32
        %parallel_loop3A_477 = arith.addi %parallel_loop3A_446, %parallel_loop3A_476 : i32
        %parallel_loop3A_478 = arith.constant 0 : i32
        %parallel_loop3A_479 = arith.index_cast %parallel_loop3A_478 : i32 to index
        %parallel_loop3A_480 = arith.index_cast %parallel_loop3A_477 : i32 to index
        %parallel_loop3A_481 = arith.constant 0 : index
        %parallel_loop3A_482 = tpu.vector_load %arg6[%parallel_loop3A_479, %parallel_loop3A_480, %parallel_loop3A_481] {strides = array<i32>} : memref<2x128x128xf32, #tpu.memory_space<vmem>>, vector<16xf32>,
        tpu.vector_store %arg6[%parallel_loop3A_479, %parallel_loop3A_480, %parallel_loop3A_481], %parallel_loop3A_475 {strides = array<i32>} : memref<2x128x128xf32, #tpu.memory_space<vmem>>, vector<16xf32>,
        %parallel_loop3A_483 = arith.subf %parallel_loop3A_444, %parallel_loop3A_460 : vector<16xf32>
        %parallel_loop3A_484 = arith.constant 1 : i32
        %parallel_loop3A_485 = arith.addi %parallel_loop3A_446, %parallel_loop3A_484 : i32
        %parallel_loop3A_486 = arith.constant 0 : i32
        %parallel_loop3A_487 = arith.index_cast %parallel_loop3A_486 : i32 to index
        %parallel_loop3A_488 = arith.index_cast %parallel_loop3A_485 : i32 to index
        %parallel_loop3A_489 = arith.constant 0 : index
        %parallel_loop3A_490 = tpu.vector_load %arg6[%parallel_loop3A_487, %parallel_loop3A_488, %parallel_loop3A_489] {strides = array<i32>} : memref<2x128x128xf32, #tpu.memory_space<vmem>>, vector<16xf32>,
        tpu.vector_store %arg6[%parallel_loop3A_487, %parallel_loop3A_488, %parallel_loop3A_489], %parallel_loop3A_483 {strides = array<i32>} : memref<2x128x128xf32, #tpu.memory_space<vmem>>, vector<16xf32>,
        %parallel_loop3A_491 = arith.addf %mul3A_206, %parallel_loop3A_467 : vector<16xf32>
        %parallel_loop3A_492 = arith.constant 2 : i32
        %parallel_loop3A_493 = arith.addi %parallel_loop3A_446, %parallel_loop3A_492 : i32
        %parallel_loop3A_494 = arith.constant 0 : i32
        %parallel_loop3A_495 = arith.index_cast %parallel_loop3A_494 : i32 to index
        %parallel_loop3A_496 = arith.index_cast %parallel_loop3A_493 : i32 to index
        %parallel_loop3A_497 = arith.constant 0 : index
        %parallel_loop3A_498 = tpu.vector_load %arg6[%parallel_loop3A_495, %parallel_loop3A_496, %parallel_loop3A_497] {strides = array<i32>} : memref<2x128x128xf32, #tpu.memory_space<vmem>>, vector<16xf32>,
        tpu.vector_store %arg6[%parallel_loop3A_495, %parallel_loop3A_496, %parallel_loop3A_497], %parallel_loop3A_491 {strides = array<i32>} : memref<2x128x128xf32, #tpu.memory_space<vmem>>, vector<16xf32>,
        %parallel_loop3A_499 = arith.addf %parallel_loop3A_444, %parallel_loop3A_474 : vector<16xf32>
        %parallel_loop3A_500 = arith.constant 3 : i32
        %parallel_loop3A_501 = arith.addi %parallel_loop3A_446, %parallel_loop3A_500 : i32
        %parallel_loop3A_502 = arith.constant 0 : i32
        %parallel_loop3A_503 = arith.index_cast %parallel_loop3A_502 : i32 to index
        %parallel_loop3A_504 = arith.index_cast %parallel_loop3A_501 : i32 to index
        %parallel_loop3A_505 = arith.constant 0 : index
        %parallel_loop3A_506 = tpu.vector_load %arg6[%parallel_loop3A_503, %parallel_loop3A_504, %parallel_loop3A_505] {strides = array<i32>} : memref<2x128x128xf32, #tpu.memory_space<vmem>>, vector<16xf32>,
        tpu.vector_store %arg6[%parallel_loop3A_503, %parallel_loop3A_504, %parallel_loop3A_505], %parallel_loop3A_499 {strides = array<i32>} : memref<2x128x128xf32, #tpu.memory_space<vmem>>, vector<16xf32>,
        %parallel_loop3A_507 = arith.constant 0 : i32
        %parallel_loop3A_508 = arith.constant 0 : i32
        %parallel_loop3A_509 = arith.index_cast %parallel_loop3A_507 : i32 to index
        %parallel_loop3A_510 = arith.index_cast %parallel_loop3A_508 : i32 to index
        %parallel_loop3A_511 = arith.index_cast %parallel_loop3A_435 : i32 to index
        %parallel_loop3A_512 = arith.constant 16 : index
        %parallel_loop3A_513 = tpu.vector_load %arg5[%parallel_loop3A_509, %parallel_loop3A_510, %parallel_loop3A_511, %parallel_loop3A_512] {strides = array<i32>} : memref<2x4x32x128xf32, #tpu.memory_space<vmem>>, vector<16xf32>,
        %parallel_loop3A_514 = arith.constant 0 : i32
        %parallel_loop3A_515 = arith.constant 1 : i32
        %parallel_loop3A_516 = arith.index_cast %parallel_loop3A_514 : i32 to index
        %parallel_loop3A_517 = arith.index_cast %parallel_loop3A_515 : i32 to index
        %parallel_loop3A_518 = arith.index_cast %parallel_loop3A_435 : i32 to index
        %parallel_loop3A_519 = arith.constant 16 : index
        %parallel_loop3A_520 = tpu.vector_load %arg5[%parallel_loop3A_516, %parallel_loop3A_517, %parallel_loop3A_518, %parallel_loop3A_519] {strides = array<i32>} : memref<2x4x32x128xf32, #tpu.memory_space<vmem>>, vector<16xf32>,
        %parallel_loop3A_521 = arith.constant 0 : i32
        %parallel_loop3A_522 = arith.constant 2 : i32
        %parallel_loop3A_523 = arith.index_cast %parallel_loop3A_521 : i32 to index
        %parallel_loop3A_524 = arith.index_cast %parallel_loop3A_522 : i32 to index
        %parallel_loop3A_525 = arith.index_cast %parallel_loop3A_435 : i32 to index
        %parallel_loop3A_526 = arith.constant 16 : index
        %parallel_loop3A_527 = tpu.vector_load %arg5[%parallel_loop3A_523, %parallel_loop3A_524, %parallel_loop3A_525, %parallel_loop3A_526] {strides = array<i32>} : memref<2x4x32x128xf32, #tpu.memory_space<vmem>>, vector<16xf32>,
        %parallel_loop3A_528 = arith.constant 0 : i32
        %parallel_loop3A_529 = arith.constant 3 : i32
        %parallel_loop3A_530 = arith.index_cast %parallel_loop3A_528 : i32 to index
        %parallel_loop3A_531 = arith.index_cast %parallel_loop3A_529 : i32 to index
        %parallel_loop3A_532 = arith.index_cast %parallel_loop3A_435 : i32 to index
        %parallel_loop3A_533 = arith.constant 16 : index
        %parallel_loop3A_534 = tpu.vector_load %arg5[%parallel_loop3A_530, %parallel_loop3A_531, %parallel_loop3A_532, %parallel_loop3A_533] {strides = array<i32>} : memref<2x4x32x128xf32, #tpu.memory_space<vmem>>, vector<16xf32>,
        %parallel_loop3A_535 = arith.subf %mul3A_207, %parallel_loop3A_513 : vector<16xf32>
        %parallel_loop3A_536 = arith.constant 0 : i32
        %parallel_loop3A_537 = arith.addi %parallel_loop3A_446, %parallel_loop3A_536 : i32
        %parallel_loop3A_538 = arith.constant 0 : i32
        %parallel_loop3A_539 = arith.index_cast %parallel_loop3A_538 : i32 to index
        %parallel_loop3A_540 = arith.index_cast %parallel_loop3A_537 : i32 to index
        %parallel_loop3A_541 = arith.constant 16 : index
        %parallel_loop3A_542 = tpu.vector_load %arg6[%parallel_loop3A_539, %parallel_loop3A_540, %parallel_loop3A_541] {strides = array<i32>} : memref<2x128x128xf32, #tpu.memory_space<vmem>>, vector<16xf32>,
        tpu.vector_store %arg6[%parallel_loop3A_539, %parallel_loop3A_540, %parallel_loop3A_541], %parallel_loop3A_535 {strides = array<i32>} : memref<2x128x128xf32, #tpu.memory_space<vmem>>, vector<16xf32>,
        %parallel_loop3A_543 = arith.subf %parallel_loop3A_444, %parallel_loop3A_520 : vector<16xf32>
        %parallel_loop3A_544 = arith.constant 1 : i32
        %parallel_loop3A_545 = arith.addi %parallel_loop3A_446, %parallel_loop3A_544 : i32
        %parallel_loop3A_546 = arith.constant 0 : i32
        %parallel_loop3A_547 = arith.index_cast %parallel_loop3A_546 : i32 to index
        %parallel_loop3A_548 = arith.index_cast %parallel_loop3A_545 : i32 to index
        %parallel_loop3A_549 = arith.constant 16 : index
        %parallel_loop3A_550 = tpu.vector_load %arg6[%parallel_loop3A_547, %parallel_loop3A_548, %parallel_loop3A_549] {strides = array<i32>} : memref<2x128x128xf32, #tpu.memory_space<vmem>>, vector<16xf32>,
        tpu.vector_store %arg6[%parallel_loop3A_547, %parallel_loop3A_548, %parallel_loop3A_549], %parallel_loop3A_543 {strides = array<i32>} : memref<2x128x128xf32, #tpu.memory_space<vmem>>, vector<16xf32>,
        %parallel_loop3A_551 = arith.addf %mul3A_207, %parallel_loop3A_527 : vector<16xf32>
        %parallel_loop3A_552 = arith.constant 2 : i32
        %parallel_loop3A_553 = arith.addi %parallel_loop3A_446, %parallel_loop3A_552 : i32
        %parallel_loop3A_554 = arith.constant 0 : i32
        %parallel_loop3A_555 = arith.index_cast %parallel_loop3A_554 : i32 to index
        %parallel_loop3A_556 = arith.index_cast %parallel_loop3A_553 : i32 to index
        %parallel_loop3A_557 = arith.constant 16 : index
        %parallel_loop3A_558 = tpu.vector_load %arg6[%parallel_loop3A_555, %parallel_loop3A_556, %parallel_loop3A_557] {strides = array<i32>} : memref<2x128x128xf32, #tpu.memory_space<vmem>>, vector<16xf32>,
        tpu.vector_store %arg6[%parallel_loop3A_555, %parallel_loop3A_556, %parallel_loop3A_557], %parallel_loop3A_551 {strides = array<i32>} : memref<2x128x128xf32, #tpu.memory_space<vmem>>, vector<16xf32>,
        %parallel_loop3A_559 = arith.addf %parallel_loop3A_444, %parallel_loop3A_534 : vector<16xf32>
        %parallel_loop3A_560 = arith.constant 3 : i32
        %parallel_loop3A_561 = arith.addi %parallel_loop3A_446, %parallel_loop3A_560 : i32
        %parallel_loop3A_562 = arith.constant 0 : i32
        %parallel_loop3A_563 = arith.index_cast %parallel_loop3A_562 : i32 to index
        %parallel_loop3A_564 = arith.index_cast %parallel_loop3A_561 : i32 to index
        %parallel_loop3A_565 = arith.constant 16 : index
        %parallel_loop3A_566 = tpu.vector_load %arg6[%parallel_loop3A_563, %parallel_loop3A_564, %parallel_loop3A_565] {strides = array<i32>} : memref<2x128x128xf32, #tpu.memory_space<vmem>>, vector<16xf32>,
        tpu.vector_store %arg6[%parallel_loop3A_563, %parallel_loop3A_564, %parallel_loop3A_565], %parallel_loop3A_559 {strides = array<i32>} : memref<2x128x128xf32, #tpu.memory_space<vmem>>, vector<16xf32>,
        %parallel_loop3A_567 = arith.constant 0 : i32
        %parallel_loop3A_568 = arith.constant 0 : i32
        %parallel_loop3A_569 = arith.index_cast %parallel_loop3A_567 : i32 to index
        %parallel_loop3A_570 = arith.index_cast %parallel_loop3A_568 : i32 to index
        %parallel_loop3A_571 = arith.index_cast %parallel_loop3A_435 : i32 to index
        %parallel_loop3A_572 = arith.constant 32 : index
        %parallel_loop3A_573 = tpu.vector_load %arg5[%parallel_loop3A_569, %parallel_loop3A_570, %parallel_loop3A_571, %parallel_loop3A_572] {strides = array<i32>} : memref<2x4x32x128xf32, #tpu.memory_space<vmem>>, vector<16xf32>,
        %parallel_loop3A_574 = arith.constant 0 : i32
        %parallel_loop3A_575 = arith.constant 1 : i32
        %parallel_loop3A_576 = arith.index_cast %parallel_loop3A_574 : i32 to index
        %parallel_loop3A_577 = arith.index_cast %parallel_loop3A_575 : i32 to index
        %parallel_loop3A_578 = arith.index_cast %parallel_loop3A_435 : i32 to index
        %parallel_loop3A_579 = arith.constant 32 : index
        %parallel_loop3A_580 = tpu.vector_load %arg5[%parallel_loop3A_576, %parallel_loop3A_577, %parallel_loop3A_578, %parallel_loop3A_579] {strides = array<i32>} : memref<2x4x32x128xf32, #tpu.memory_space<vmem>>, vector<16xf32>,
        %parallel_loop3A_581 = arith.constant 0 : i32
        %parallel_loop3A_582 = arith.constant 2 : i32
        %parallel_loop3A_583 = arith.index_cast %parallel_loop3A_581 : i32 to index
        %parallel_loop3A_584 = arith.index_cast %parallel_loop3A_582 : i32 to index
        %parallel_loop3A_585 = arith.index_cast %parallel_loop3A_435 : i32 to index
        %parallel_loop3A_586 = arith.constant 32 : index
        %parallel_loop3A_587 = tpu.vector_load %arg5[%parallel_loop3A_583, %parallel_loop3A_584, %parallel_loop3A_585, %parallel_loop3A_586] {strides = array<i32>} : memref<2x4x32x128xf32, #tpu.memory_space<vmem>>, vector<16xf32>,
        %parallel_loop3A_588 = arith.constant 0 : i32
        %parallel_loop3A_589 = arith.constant 3 : i32
        %parallel_loop3A_590 = arith.index_cast %parallel_loop3A_588 : i32 to index
        %parallel_loop3A_591 = arith.index_cast %parallel_loop3A_589 : i32 to index
        %parallel_loop3A_592 = arith.index_cast %parallel_loop3A_435 : i32 to index
        %parallel_loop3A_593 = arith.constant 32 : index
        %parallel_loop3A_594 = tpu.vector_load %arg5[%parallel_loop3A_590, %parallel_loop3A_591, %parallel_loop3A_592, %parallel_loop3A_593] {strides = array<i32>} : memref<2x4x32x128xf32, #tpu.memory_space<vmem>>, vector<16xf32>,
        %parallel_loop3A_595 = arith.subf %mul3A_208, %parallel_loop3A_573 : vector<16xf32>
        %parallel_loop3A_596 = arith.constant 0 : i32
        %parallel_loop3A_597 = arith.addi %parallel_loop3A_446, %parallel_loop3A_596 : i32
        %parallel_loop3A_598 = arith.constant 0 : i32
        %parallel_loop3A_599 = arith.index_cast %parallel_loop3A_598 : i32 to index
        %parallel_loop3A_600 = arith.index_cast %parallel_loop3A_597 : i32 to index
        %parallel_loop3A_601 = arith.constant 32 : index
        %parallel_loop3A_602 = tpu.vector_load %arg6[%parallel_loop3A_599, %parallel_loop3A_600, %parallel_loop3A_601] {strides = array<i32>} : memref<2x128x128xf32, #tpu.memory_space<vmem>>, vector<16xf32>,
        tpu.vector_store %arg6[%parallel_loop3A_599, %parallel_loop3A_600, %parallel_loop3A_601], %parallel_loop3A_595 {strides = array<i32>} : memref<2x128x128xf32, #tpu.memory_space<vmem>>, vector<16xf32>,
        %parallel_loop3A_603 = arith.subf %parallel_loop3A_444, %parallel_loop3A_580 : vector<16xf32>
        %parallel_loop3A_604 = arith.constant 1 : i32
        %parallel_loop3A_605 = arith.addi %parallel_loop3A_446, %parallel_loop3A_604 : i32
        %parallel_loop3A_606 = arith.constant 0 : i32
        %parallel_loop3A_607 = arith.index_cast %parallel_loop3A_606 : i32 to index
        %parallel_loop3A_608 = arith.index_cast %parallel_loop3A_605 : i32 to index
        %parallel_loop3A_609 = arith.constant 32 : index
        %parallel_loop3A_610 = tpu.vector_load %arg6[%parallel_loop3A_607, %parallel_loop3A_608, %parallel_loop3A_609] {strides = array<i32>} : memref<2x128x128xf32, #tpu.memory_space<vmem>>, vector<16xf32>,
        tpu.vector_store %arg6[%parallel_loop3A_607, %parallel_loop3A_608, %parallel_loop3A_609], %parallel_loop3A_603 {strides = array<i32>} : memref<2x128x128xf32, #tpu.memory_space<vmem>>, vector<16xf32>,
        %parallel_loop3A_611 = arith.addf %mul3A_208, %parallel_loop3A_587 : vector<16xf32>
        %parallel_loop3A_612 = arith.constant 2 : i32
        %parallel_loop3A_613 = arith.addi %parallel_loop3A_446, %parallel_loop3A_612 : i32
        %parallel_loop3A_614 = arith.constant 0 : i32
        %parallel_loop3A_615 = arith.index_cast %parallel_loop3A_614 : i32 to index
        %parallel_loop3A_616 = arith.index_cast %parallel_loop3A_613 : i32 to index
        %parallel_loop3A_617 = arith.constant 32 : index
        %parallel_loop3A_618 = tpu.vector_load %arg6[%parallel_loop3A_615, %parallel_loop3A_616, %parallel_loop3A_617] {strides = array<i32>} : memref<2x128x128xf32, #tpu.memory_space<vmem>>, vector<16xf32>,
        tpu.vector_store %arg6[%parallel_loop3A_615, %parallel_loop3A_616, %parallel_loop3A_617], %parallel_loop3A_611 {strides = array<i32>} : memref<2x128x128xf32, #tpu.memory_space<vmem>>, vector<16xf32>,
        %parallel_loop3A_619 = arith.addf %parallel_loop3A_444, %parallel_loop3A_594 : vector<16xf32>
        %parallel_loop3A_620 = arith.constant 3 : i32
        %parallel_loop3A_621 = arith.addi %parallel_loop3A_446, %parallel_loop3A_620 : i32
        %parallel_loop3A_622 = arith.constant 0 : i32
        %parallel_loop3A_623 = arith.index_cast %parallel_loop3A_622 : i32 to index
        %parallel_loop3A_624 = arith.index_cast %parallel_loop3A_621 : i32 to index
        %parallel_loop3A_625 = arith.constant 32 : index
        %parallel_loop3A_626 = tpu.vector_load %arg6[%parallel_loop3A_623, %parallel_loop3A_624, %parallel_loop3A_625] {strides = array<i32>} : memref<2x128x128xf32, #tpu.memory_space<vmem>>, vector<16xf32>,
        tpu.vector_store %arg6[%parallel_loop3A_623, %parallel_loop3A_624, %parallel_loop3A_625], %parallel_loop3A_619 {strides = array<i32>} : memref<2x128x128xf32, #tpu.memory_space<vmem>>, vector<16xf32>,
        %parallel_loop3A_627 = arith.constant 0 : i32
        %parallel_loop3A_628 = arith.constant 0 : i32
        %parallel_loop3A_629 = arith.index_cast %parallel_loop3A_627 : i32 to index
        %parallel_loop3A_630 = arith.index_cast %parallel_loop3A_628 : i32 to index
        %parallel_loop3A_631 = arith.index_cast %parallel_loop3A_435 : i32 to index
        %parallel_loop3A_632 = arith.constant 48 : index
        %parallel_loop3A_633 = tpu.vector_load %arg5[%parallel_loop3A_629, %parallel_loop3A_630, %parallel_loop3A_631, %parallel_loop3A_632] {strides = array<i32>} : memref<2x4x32x128xf32, #tpu.memory_space<vmem>>, vector<16xf32>,
        %parallel_loop3A_634 = arith.constant 0 : i32
        %parallel_loop3A_635 = arith.constant 1 : i32
        %parallel_loop3A_636 = arith.index_cast %parallel_loop3A_634 : i32 to index
        %parallel_loop3A_637 = arith.index_cast %parallel_loop3A_635 : i32 to index
        %parallel_loop3A_638 = arith.index_cast %parallel_loop3A_435 : i32 to index
        %parallel_loop3A_639 = arith.constant 48 : index
        %parallel_loop3A_640 = tpu.vector_load %arg5[%parallel_loop3A_636, %parallel_loop3A_637, %parallel_loop3A_638, %parallel_loop3A_639] {strides = array<i32>} : memref<2x4x32x128xf32, #tpu.memory_space<vmem>>, vector<16xf32>,
        %parallel_loop3A_641 = arith.constant 0 : i32
        %parallel_loop3A_642 = arith.constant 2 : i32
        %parallel_loop3A_643 = arith.index_cast %parallel_loop3A_641 : i32 to index
        %parallel_loop3A_644 = arith.index_cast %parallel_loop3A_642 : i32 to index
        %parallel_loop3A_645 = arith.index_cast %parallel_loop3A_435 : i32 to index
        %parallel_loop3A_646 = arith.constant 48 : index
        %parallel_loop3A_647 = tpu.vector_load %arg5[%parallel_loop3A_643, %parallel_loop3A_644, %parallel_loop3A_645, %parallel_loop3A_646] {strides = array<i32>} : memref<2x4x32x128xf32, #tpu.memory_space<vmem>>, vector<16xf32>,
        %parallel_loop3A_648 = arith.constant 0 : i32
        %parallel_loop3A_649 = arith.constant 3 : i32
        %parallel_loop3A_650 = arith.index_cast %parallel_loop3A_648 : i32 to index
        %parallel_loop3A_651 = arith.index_cast %parallel_loop3A_649 : i32 to index
        %parallel_loop3A_652 = arith.index_cast %parallel_loop3A_435 : i32 to index
        %parallel_loop3A_653 = arith.constant 48 : index
        %parallel_loop3A_654 = tpu.vector_load %arg5[%parallel_loop3A_650, %parallel_loop3A_651, %parallel_loop3A_652, %parallel_loop3A_653] {strides = array<i32>} : memref<2x4x32x128xf32, #tpu.memory_space<vmem>>, vector<16xf32>,
        %parallel_loop3A_655 = arith.subf %mul3A_209, %parallel_loop3A_633 : vector<16xf32>
        %parallel_loop3A_656 = arith.constant 0 : i32
        %parallel_loop3A_657 = arith.addi %parallel_loop3A_446, %parallel_loop3A_656 : i32
        %parallel_loop3A_658 = arith.constant 0 : i32
        %parallel_loop3A_659 = arith.index_cast %parallel_loop3A_658 : i32 to index
        %parallel_loop3A_660 = arith.index_cast %parallel_loop3A_657 : i32 to index
        %parallel_loop3A_661 = arith.constant 48 : index
        %parallel_loop3A_662 = tpu.vector_load %arg6[%parallel_loop3A_659, %parallel_loop3A_660, %parallel_loop3A_661] {strides = array<i32>} : memref<2x128x128xf32, #tpu.memory_space<vmem>>, vector<16xf32>,
        tpu.vector_store %arg6[%parallel_loop3A_659, %parallel_loop3A_660, %parallel_loop3A_661], %parallel_loop3A_655 {strides = array<i32>} : memref<2x128x128xf32, #tpu.memory_space<vmem>>, vector<16xf32>,
        %parallel_loop3A_663 = arith.subf %parallel_loop3A_444, %parallel_loop3A_640 : vector<16xf32>
        %parallel_loop3A_664 = arith.constant 1 : i32
        %parallel_loop3A_665 = arith.addi %parallel_loop3A_446, %parallel_loop3A_664 : i32
        %parallel_loop3A_666 = arith.constant 0 : i32
        %parallel_loop3A_667 = arith.index_cast %parallel_loop3A_666 : i32 to index
        %parallel_loop3A_668 = arith.index_cast %parallel_loop3A_665 : i32 to index
        %parallel_loop3A_669 = arith.constant 48 : index
        %parallel_loop3A_670 = tpu.vector_load %arg6[%parallel_loop3A_667, %parallel_loop3A_668, %parallel_loop3A_669] {strides = array<i32>} : memref<2x128x128xf32, #tpu.memory_space<vmem>>, vector<16xf32>,
        tpu.vector_store %arg6[%parallel_loop3A_667, %parallel_loop3A_668, %parallel_loop3A_669], %parallel_loop3A_663 {strides = array<i32>} : memref<2x128x128xf32, #tpu.memory_space<vmem>>, vector<16xf32>,
        %parallel_loop3A_671 = arith.addf %mul3A_209, %parallel_loop3A_647 : vector<16xf32>
        %parallel_loop3A_672 = arith.constant 2 : i32
        %parallel_loop3A_673 = arith.addi %parallel_loop3A_446, %parallel_loop3A_672 : i32
        %parallel_loop3A_674 = arith.constant 0 : i32
        %parallel_loop3A_675 = arith.index_cast %parallel_loop3A_674 : i32 to index
        %parallel_loop3A_676 = arith.index_cast %parallel_loop3A_673 : i32 to index
        %parallel_loop3A_677 = arith.constant 48 : index
        %parallel_loop3A_678 = tpu.vector_load %arg6[%parallel_loop3A_675, %parallel_loop3A_676, %parallel_loop3A_677] {strides = array<i32>} : memref<2x128x128xf32, #tpu.memory_space<vmem>>, vector<16xf32>,
        tpu.vector_store %arg6[%parallel_loop3A_675, %parallel_loop3A_676, %parallel_loop3A_677], %parallel_loop3A_671 {strides = array<i32>} : memref<2x128x128xf32, #tpu.memory_space<vmem>>, vector<16xf32>,
        %parallel_loop3A_679 = arith.addf %parallel_loop3A_444, %parallel_loop3A_654 : vector<16xf32>
        %parallel_loop3A_680 = arith.constant 3 : i32
        %parallel_loop3A_681 = arith.addi %parallel_loop3A_446, %parallel_loop3A_680 : i32
        %parallel_loop3A_682 = arith.constant 0 : i32
        %parallel_loop3A_683 = arith.index_cast %parallel_loop3A_682 : i32 to index
        %parallel_loop3A_684 = arith.index_cast %parallel_loop3A_681 : i32 to index
        %parallel_loop3A_685 = arith.constant 48 : index
        %parallel_loop3A_686 = tpu.vector_load %arg6[%parallel_loop3A_683, %parallel_loop3A_684, %parallel_loop3A_685] {strides = array<i32>} : memref<2x128x128xf32, #tpu.memory_space<vmem>>, vector<16xf32>,
        tpu.vector_store %arg6[%parallel_loop3A_683, %parallel_loop3A_684, %parallel_loop3A_685], %parallel_loop3A_679 {strides = array<i32>} : memref<2x128x128xf32, #tpu.memory_space<vmem>>, vector<16xf32>,
        %parallel_loop3A_687 = arith.constant 0 : i32
        %parallel_loop3A_688 = arith.constant 0 : i32
        %parallel_loop3A_689 = arith.index_cast %parallel_loop3A_687 : i32 to index
        %parallel_loop3A_690 = arith.index_cast %parallel_loop3A_688 : i32 to index
        %parallel_loop3A_691 = arith.index_cast %parallel_loop3A_435 : i32 to index
        %parallel_loop3A_692 = arith.constant 64 : index
        %parallel_loop3A_693 = tpu.vector_load %arg5[%parallel_loop3A_689, %parallel_loop3A_690, %parallel_loop3A_691, %parallel_loop3A_692] {strides = array<i32>} : memref<2x4x32x128xf32, #tpu.memory_space<vmem>>, vector<16xf32>,
        %parallel_loop3A_694 = arith.constant 0 : i32
        %parallel_loop3A_695 = arith.constant 1 : i32
        %parallel_loop3A_696 = arith.index_cast %parallel_loop3A_694 : i32 to index
        %parallel_loop3A_697 = arith.index_cast %parallel_loop3A_695 : i32 to index
        %parallel_loop3A_698 = arith.index_cast %parallel_loop3A_435 : i32 to index
        %parallel_loop3A_699 = arith.constant 64 : index
        %parallel_loop3A_700 = tpu.vector_load %arg5[%parallel_loop3A_696, %parallel_loop3A_697, %parallel_loop3A_698, %parallel_loop3A_699] {strides = array<i32>} : memref<2x4x32x128xf32, #tpu.memory_space<vmem>>, vector<16xf32>,
        %parallel_loop3A_701 = arith.constant 0 : i32
        %parallel_loop3A_702 = arith.constant 2 : i32
        %parallel_loop3A_703 = arith.index_cast %parallel_loop3A_701 : i32 to index
        %parallel_loop3A_704 = arith.index_cast %parallel_loop3A_702 : i32 to index
        %parallel_loop3A_705 = arith.index_cast %parallel_loop3A_435 : i32 to index
        %parallel_loop3A_706 = arith.constant 64 : index
        %parallel_loop3A_707 = tpu.vector_load %arg5[%parallel_loop3A_703, %parallel_loop3A_704, %parallel_loop3A_705, %parallel_loop3A_706] {strides = array<i32>} : memref<2x4x32x128xf32, #tpu.memory_space<vmem>>, vector<16xf32>,
        %parallel_loop3A_708 = arith.constant 0 : i32
        %parallel_loop3A_709 = arith.constant 3 : i32
        %parallel_loop3A_710 = arith.index_cast %parallel_loop3A_708 : i32 to index
        %parallel_loop3A_711 = arith.index_cast %parallel_loop3A_709 : i32 to index
        %parallel_loop3A_712 = arith.index_cast %parallel_loop3A_435 : i32 to index
        %parallel_loop3A_713 = arith.constant 64 : index
        %parallel_loop3A_714 = tpu.vector_load %arg5[%parallel_loop3A_710, %parallel_loop3A_711, %parallel_loop3A_712, %parallel_loop3A_713] {strides = array<i32>} : memref<2x4x32x128xf32, #tpu.memory_space<vmem>>, vector<16xf32>,
        %parallel_loop3A_715 = arith.subf %mul3A_210, %parallel_loop3A_693 : vector<16xf32>
        %parallel_loop3A_716 = arith.constant 0 : i32
        %parallel_loop3A_717 = arith.addi %parallel_loop3A_446, %parallel_loop3A_716 : i32
        %parallel_loop3A_718 = arith.constant 0 : i32
        %parallel_loop3A_719 = arith.index_cast %parallel_loop3A_718 : i32 to index
        %parallel_loop3A_720 = arith.index_cast %parallel_loop3A_717 : i32 to index
        %parallel_loop3A_721 = arith.constant 64 : index
        %parallel_loop3A_722 = tpu.vector_load %arg6[%parallel_loop3A_719, %parallel_loop3A_720, %parallel_loop3A_721] {strides = array<i32>} : memref<2x128x128xf32, #tpu.memory_space<vmem>>, vector<16xf32>,
        tpu.vector_store %arg6[%parallel_loop3A_719, %parallel_loop3A_720, %parallel_loop3A_721], %parallel_loop3A_715 {strides = array<i32>} : memref<2x128x128xf32, #tpu.memory_space<vmem>>, vector<16xf32>,
        %parallel_loop3A_723 = arith.subf %parallel_loop3A_444, %parallel_loop3A_700 : vector<16xf32>
        %parallel_loop3A_724 = arith.constant 1 : i32
        %parallel_loop3A_725 = arith.addi %parallel_loop3A_446, %parallel_loop3A_724 : i32
        %parallel_loop3A_726 = arith.constant 0 : i32
        %parallel_loop3A_727 = arith.index_cast %parallel_loop3A_726 : i32 to index
        %parallel_loop3A_728 = arith.index_cast %parallel_loop3A_725 : i32 to index
        %parallel_loop3A_729 = arith.constant 64 : index
        %parallel_loop3A_730 = tpu.vector_load %arg6[%parallel_loop3A_727, %parallel_loop3A_728, %parallel_loop3A_729] {strides = array<i32>} : memref<2x128x128xf32, #tpu.memory_space<vmem>>, vector<16xf32>,
        tpu.vector_store %arg6[%parallel_loop3A_727, %parallel_loop3A_728, %parallel_loop3A_729], %parallel_loop3A_723 {strides = array<i32>} : memref<2x128x128xf32, #tpu.memory_space<vmem>>, vector<16xf32>,
        %parallel_loop3A_731 = arith.addf %mul3A_210, %parallel_loop3A_707 : vector<16xf32>
        %parallel_loop3A_732 = arith.constant 2 : i32
        %parallel_loop3A_733 = arith.addi %parallel_loop3A_446, %parallel_loop3A_732 : i32
        %parallel_loop3A_734 = arith.constant 0 : i32
        %parallel_loop3A_735 = arith.index_cast %parallel_loop3A_734 : i32 to index
        %parallel_loop3A_736 = arith.index_cast %parallel_loop3A_733 : i32 to index
        %parallel_loop3A_737 = arith.constant 64 : index
        %parallel_loop3A_738 = tpu.vector_load %arg6[%parallel_loop3A_735, %parallel_loop3A_736, %parallel_loop3A_737] {strides = array<i32>} : memref<2x128x128xf32, #tpu.memory_space<vmem>>, vector<16xf32>,
        tpu.vector_store %arg6[%parallel_loop3A_735, %parallel_loop3A_736, %parallel_loop3A_737], %parallel_loop3A_731 {strides = array<i32>} : memref<2x128x128xf32, #tpu.memory_space<vmem>>, vector<16xf32>,
        %parallel_loop3A_739 = arith.addf %parallel_loop3A_444, %parallel_loop3A_714 : vector<16xf32>
        %parallel_loop3A_740 = arith.constant 3 : i32
        %parallel_loop3A_741 = arith.addi %parallel_loop3A_446, %parallel_loop3A_740 : i32
        %parallel_loop3A_742 = arith.constant 0 : i32
        %parallel_loop3A_743 = arith.index_cast %parallel_loop3A_742 : i32 to index
        %parallel_loop3A_744 = arith.index_cast %parallel_loop3A_741 : i32 to index
        %parallel_loop3A_745 = arith.constant 64 : index
        %parallel_loop3A_746 = tpu.vector_load %arg6[%parallel_loop3A_743, %parallel_loop3A_744, %parallel_loop3A_745] {strides = array<i32>} : memref<2x128x128xf32, #tpu.memory_space<vmem>>, vector<16xf32>,
        tpu.vector_store %arg6[%parallel_loop3A_743, %parallel_loop3A_744, %parallel_loop3A_745], %parallel_loop3A_739 {strides = array<i32>} : memref<2x128x128xf32, #tpu.memory_space<vmem>>, vector<16xf32>,
        %parallel_loop3A_747 = arith.constant 0 : i32
        %parallel_loop3A_748 = arith.constant 0 : i32
        %parallel_loop3A_749 = arith.index_cast %parallel_loop3A_747 : i32 to index
        %parallel_loop3A_750 = arith.index_cast %parallel_loop3A_748 : i32 to index
        %parallel_loop3A_751 = arith.index_cast %parallel_loop3A_435 : i32 to index
        %parallel_loop3A_752 = arith.constant 80 : index
        %parallel_loop3A_753 = tpu.vector_load %arg5[%parallel_loop3A_749, %parallel_loop3A_750, %parallel_loop3A_751, %parallel_loop3A_752] {strides = array<i32>} : memref<2x4x32x128xf32, #tpu.memory_space<vmem>>, vector<16xf32>,
        %parallel_loop3A_754 = arith.constant 0 : i32
        %parallel_loop3A_755 = arith.constant 1 : i32
        %parallel_loop3A_756 = arith.index_cast %parallel_loop3A_754 : i32 to index
        %parallel_loop3A_757 = arith.index_cast %parallel_loop3A_755 : i32 to index
        %parallel_loop3A_758 = arith.index_cast %parallel_loop3A_435 : i32 to index
        %parallel_loop3A_759 = arith.constant 80 : index
        %parallel_loop3A_760 = tpu.vector_load %arg5[%parallel_loop3A_756, %parallel_loop3A_757, %parallel_loop3A_758, %parallel_loop3A_759] {strides = array<i32>} : memref<2x4x32x128xf32, #tpu.memory_space<vmem>>, vector<16xf32>,
        %parallel_loop3A_761 = arith.constant 0 : i32
        %parallel_loop3A_762 = arith.constant 2 : i32
        %parallel_loop3A_763 = arith.index_cast %parallel_loop3A_761 : i32 to index
        %parallel_loop3A_764 = arith.index_cast %parallel_loop3A_762 : i32 to index
        %parallel_loop3A_765 = arith.index_cast %parallel_loop3A_435 : i32 to index
        %parallel_loop3A_766 = arith.constant 80 : index
        %parallel_loop3A_767 = tpu.vector_load %arg5[%parallel_loop3A_763, %parallel_loop3A_764, %parallel_loop3A_765, %parallel_loop3A_766] {strides = array<i32>} : memref<2x4x32x128xf32, #tpu.memory_space<vmem>>, vector<16xf32>,
        %parallel_loop3A_768 = arith.constant 0 : i32
        %parallel_loop3A_769 = arith.constant 3 : i32
        %parallel_loop3A_770 = arith.index_cast %parallel_loop3A_768 : i32 to index
        %parallel_loop3A_771 = arith.index_cast %parallel_loop3A_769 : i32 to index
        %parallel_loop3A_772 = arith.index_cast %parallel_loop3A_435 : i32 to index
        %parallel_loop3A_773 = arith.constant 80 : index
        %parallel_loop3A_774 = tpu.vector_load %arg5[%parallel_loop3A_770, %parallel_loop3A_771, %parallel_loop3A_772, %parallel_loop3A_773] {strides = array<i32>} : memref<2x4x32x128xf32, #tpu.memory_space<vmem>>, vector<16xf32>,
        %parallel_loop3A_775 = arith.subf %mul3A_211, %parallel_loop3A_753 : vector<16xf32>
        %parallel_loop3A_776 = arith.constant 0 : i32
        %parallel_loop3A_777 = arith.addi %parallel_loop3A_446, %parallel_loop3A_776 : i32
        %parallel_loop3A_778 = arith.constant 0 : i32
        %parallel_loop3A_779 = arith.index_cast %parallel_loop3A_778 : i32 to index
        %parallel_loop3A_780 = arith.index_cast %parallel_loop3A_777 : i32 to index
        %parallel_loop3A_781 = arith.constant 80 : index
        %parallel_loop3A_782 = tpu.vector_load %arg6[%parallel_loop3A_779, %parallel_loop3A_780, %parallel_loop3A_781] {strides = array<i32>} : memref<2x128x128xf32, #tpu.memory_space<vmem>>, vector<16xf32>,
        tpu.vector_store %arg6[%parallel_loop3A_779, %parallel_loop3A_780, %parallel_loop3A_781], %parallel_loop3A_775 {strides = array<i32>} : memref<2x128x128xf32, #tpu.memory_space<vmem>>, vector<16xf32>,
        %parallel_loop3A_783 = arith.subf %parallel_loop3A_444, %parallel_loop3A_760 : vector<16xf32>
        %parallel_loop3A_784 = arith.constant 1 : i32
        %parallel_loop3A_785 = arith.addi %parallel_loop3A_446, %parallel_loop3A_784 : i32
        %parallel_loop3A_786 = arith.constant 0 : i32
        %parallel_loop3A_787 = arith.index_cast %parallel_loop3A_786 : i32 to index
        %parallel_loop3A_788 = arith.index_cast %parallel_loop3A_785 : i32 to index
        %parallel_loop3A_789 = arith.constant 80 : index
        %parallel_loop3A_790 = tpu.vector_load %arg6[%parallel_loop3A_787, %parallel_loop3A_788, %parallel_loop3A_789] {strides = array<i32>} : memref<2x128x128xf32, #tpu.memory_space<vmem>>, vector<16xf32>,
        tpu.vector_store %arg6[%parallel_loop3A_787, %parallel_loop3A_788, %parallel_loop3A_789], %parallel_loop3A_783 {strides = array<i32>} : memref<2x128x128xf32, #tpu.memory_space<vmem>>, vector<16xf32>,
        %parallel_loop3A_791 = arith.addf %mul3A_211, %parallel_loop3A_767 : vector<16xf32>
        %parallel_loop3A_792 = arith.constant 2 : i32
        %parallel_loop3A_793 = arith.addi %parallel_loop3A_446, %parallel_loop3A_792 : i32
        %parallel_loop3A_794 = arith.constant 0 : i32
        %parallel_loop3A_795 = arith.index_cast %parallel_loop3A_794 : i32 to index
        %parallel_loop3A_796 = arith.index_cast %parallel_loop3A_793 : i32 to index
        %parallel_loop3A_797 = arith.constant 80 : index
        %parallel_loop3A_798 = tpu.vector_load %arg6[%parallel_loop3A_795, %parallel_loop3A_796, %parallel_loop3A_797] {strides = array<i32>} : memref<2x128x128xf32, #tpu.memory_space<vmem>>, vector<16xf32>,
        tpu.vector_store %arg6[%parallel_loop3A_795, %parallel_loop3A_796, %parallel_loop3A_797], %parallel_loop3A_791 {strides = array<i32>} : memref<2x128x128xf32, #tpu.memory_space<vmem>>, vector<16xf32>,
        %parallel_loop3A_799 = arith.addf %parallel_loop3A_444, %parallel_loop3A_774 : vector<16xf32>
        %parallel_loop3A_800 = arith.constant 3 : i32
        %parallel_loop3A_801 = arith.addi %parallel_loop3A_446, %parallel_loop3A_800 : i32
        %parallel_loop3A_802 = arith.constant 0 : i32
        %parallel_loop3A_803 = arith.index_cast %parallel_loop3A_802 : i32 to index
        %parallel_loop3A_804 = arith.index_cast %parallel_loop3A_801 : i32 to index
        %parallel_loop3A_805 = arith.constant 80 : index
        %parallel_loop3A_806 = tpu.vector_load %arg6[%parallel_loop3A_803, %parallel_loop3A_804, %parallel_loop3A_805] {strides = array<i32>} : memref<2x128x128xf32, #tpu.memory_space<vmem>>, vector<16xf32>,
        tpu.vector_store %arg6[%parallel_loop3A_803, %parallel_loop3A_804, %parallel_loop3A_805], %parallel_loop3A_799 {strides = array<i32>} : memref<2x128x128xf32, #tpu.memory_space<vmem>>, vector<16xf32>,
        %parallel_loop3A_807 = arith.constant 0 : i32
        %parallel_loop3A_808 = arith.constant 0 : i32
        %parallel_loop3A_809 = arith.index_cast %parallel_loop3A_807 : i32 to index
        %parallel_loop3A_810 = arith.index_cast %parallel_loop3A_808 : i32 to index
        %parallel_loop3A_811 = arith.index_cast %parallel_loop3A_435 : i32 to index
        %parallel_loop3A_812 = arith.constant 96 : index
        %parallel_loop3A_813 = tpu.vector_load %arg5[%parallel_loop3A_809, %parallel_loop3A_810, %parallel_loop3A_811, %parallel_loop3A_812] {strides = array<i32>} : memref<2x4x32x128xf32, #tpu.memory_space<vmem>>, vector<16xf32>,
        %parallel_loop3A_814 = arith.constant 0 : i32
        %parallel_loop3A_815 = arith.constant 1 : i32
        %parallel_loop3A_816 = arith.index_cast %parallel_loop3A_814 : i32 to index
        %parallel_loop3A_817 = arith.index_cast %parallel_loop3A_815 : i32 to index
        %parallel_loop3A_818 = arith.index_cast %parallel_loop3A_435 : i32 to index
        %parallel_loop3A_819 = arith.constant 96 : index
        %parallel_loop3A_820 = tpu.vector_load %arg5[%parallel_loop3A_816, %parallel_loop3A_817, %parallel_loop3A_818, %parallel_loop3A_819] {strides = array<i32>} : memref<2x4x32x128xf32, #tpu.memory_space<vmem>>, vector<16xf32>,
        %parallel_loop3A_821 = arith.constant 0 : i32
        %parallel_loop3A_822 = arith.constant 2 : i32
        %parallel_loop3A_823 = arith.index_cast %parallel_loop3A_821 : i32 to index
        %parallel_loop3A_824 = arith.index_cast %parallel_loop3A_822 : i32 to index
        %parallel_loop3A_825 = arith.index_cast %parallel_loop3A_435 : i32 to index
        %parallel_loop3A_826 = arith.constant 96 : index
        %parallel_loop3A_827 = tpu.vector_load %arg5[%parallel_loop3A_823, %parallel_loop3A_824, %parallel_loop3A_825, %parallel_loop3A_826] {strides = array<i32>} : memref<2x4x32x128xf32, #tpu.memory_space<vmem>>, vector<16xf32>,
        %parallel_loop3A_828 = arith.constant 0 : i32
        %parallel_loop3A_829 = arith.constant 3 : i32
        %parallel_loop3A_830 = arith.index_cast %parallel_loop3A_828 : i32 to index
        %parallel_loop3A_831 = arith.index_cast %parallel_loop3A_829 : i32 to index
        %parallel_loop3A_832 = arith.index_cast %parallel_loop3A_435 : i32 to index
        %parallel_loop3A_833 = arith.constant 96 : index
        %parallel_loop3A_834 = tpu.vector_load %arg5[%parallel_loop3A_830, %parallel_loop3A_831, %parallel_loop3A_832, %parallel_loop3A_833] {strides = array<i32>} : memref<2x4x32x128xf32, #tpu.memory_space<vmem>>, vector<16xf32>,
        %parallel_loop3A_835 = arith.subf %mul3A_212, %parallel_loop3A_813 : vector<16xf32>
        %parallel_loop3A_836 = arith.constant 0 : i32
        %parallel_loop3A_837 = arith.addi %parallel_loop3A_446, %parallel_loop3A_836 : i32
        %parallel_loop3A_838 = arith.constant 0 : i32
        %parallel_loop3A_839 = arith.index_cast %parallel_loop3A_838 : i32 to index
        %parallel_loop3A_840 = arith.index_cast %parallel_loop3A_837 : i32 to index
        %parallel_loop3A_841 = arith.constant 96 : index
        %parallel_loop3A_842 = tpu.vector_load %arg6[%parallel_loop3A_839, %parallel_loop3A_840, %parallel_loop3A_841] {strides = array<i32>} : memref<2x128x128xf32, #tpu.memory_space<vmem>>, vector<16xf32>,
        tpu.vector_store %arg6[%parallel_loop3A_839, %parallel_loop3A_840, %parallel_loop3A_841], %parallel_loop3A_835 {strides = array<i32>} : memref<2x128x128xf32, #tpu.memory_space<vmem>>, vector<16xf32>,
        %parallel_loop3A_843 = arith.subf %parallel_loop3A_444, %parallel_loop3A_820 : vector<16xf32>
        %parallel_loop3A_844 = arith.constant 1 : i32
        %parallel_loop3A_845 = arith.addi %parallel_loop3A_446, %parallel_loop3A_844 : i32
        %parallel_loop3A_846 = arith.constant 0 : i32
        %parallel_loop3A_847 = arith.index_cast %parallel_loop3A_846 : i32 to index
        %parallel_loop3A_848 = arith.index_cast %parallel_loop3A_845 : i32 to index
        %parallel_loop3A_849 = arith.constant 96 : index
        %parallel_loop3A_850 = tpu.vector_load %arg6[%parallel_loop3A_847, %parallel_loop3A_848, %parallel_loop3A_849] {strides = array<i32>} : memref<2x128x128xf32, #tpu.memory_space<vmem>>, vector<16xf32>,
        tpu.vector_store %arg6[%parallel_loop3A_847, %parallel_loop3A_848, %parallel_loop3A_849], %parallel_loop3A_843 {strides = array<i32>} : memref<2x128x128xf32, #tpu.memory_space<vmem>>, vector<16xf32>,
        %parallel_loop3A_851 = arith.addf %mul3A_212, %parallel_loop3A_827 : vector<16xf32>
        %parallel_loop3A_852 = arith.constant 2 : i32
        %parallel_loop3A_853 = arith.addi %parallel_loop3A_446, %parallel_loop3A_852 : i32
        %parallel_loop3A_854 = arith.constant 0 : i32
        %parallel_loop3A_855 = arith.index_cast %parallel_loop3A_854 : i32 to index
        %parallel_loop3A_856 = arith.index_cast %parallel_loop3A_853 : i32 to index
        %parallel_loop3A_857 = arith.constant 96 : index
        %parallel_loop3A_858 = tpu.vector_load %arg6[%parallel_loop3A_855, %parallel_loop3A_856, %parallel_loop3A_857] {strides = array<i32>} : memref<2x128x128xf32, #tpu.memory_space<vmem>>, vector<16xf32>,
        tpu.vector_store %arg6[%parallel_loop3A_855, %parallel_loop3A_856, %parallel_loop3A_857], %parallel_loop3A_851 {strides = array<i32>} : memref<2x128x128xf32, #tpu.memory_space<vmem>>, vector<16xf32>,
        %parallel_loop3A_859 = arith.addf %parallel_loop3A_444, %parallel_loop3A_834 : vector<16xf32>
        %parallel_loop3A_860 = arith.constant 3 : i32
        %parallel_loop3A_861 = arith.addi %parallel_loop3A_446, %parallel_loop3A_860 : i32
        %parallel_loop3A_862 = arith.constant 0 : i32
        %parallel_loop3A_863 = arith.index_cast %parallel_loop3A_862 : i32 to index
        %parallel_loop3A_864 = arith.index_cast %parallel_loop3A_861 : i32 to index
        %parallel_loop3A_865 = arith.constant 96 : index
        %parallel_loop3A_866 = tpu.vector_load %arg6[%parallel_loop3A_863, %parallel_loop3A_864, %parallel_loop3A_865] {strides = array<i32>} : memref<2x128x128xf32, #tpu.memory_space<vmem>>, vector<16xf32>,
        tpu.vector_store %arg6[%parallel_loop3A_863, %parallel_loop3A_864, %parallel_loop3A_865], %parallel_loop3A_859 {strides = array<i32>} : memref<2x128x128xf32, #tpu.memory_space<vmem>>, vector<16xf32>,
        %parallel_loop3A_867 = arith.constant 0 : i32
        %parallel_loop3A_868 = arith.constant 0 : i32
        %parallel_loop3A_869 = arith.index_cast %parallel_loop3A_867 : i32 to index
        %parallel_loop3A_870 = arith.index_cast %parallel_loop3A_868 : i32 to index
        %parallel_loop3A_871 = arith.index_cast %parallel_loop3A_435 : i32 to index
        %parallel_loop3A_872 = arith.constant 112 : index
        %parallel_loop3A_873 = tpu.vector_load %arg5[%parallel_loop3A_869, %parallel_loop3A_870, %parallel_loop3A_871, %parallel_loop3A_872] {strides = array<i32>} : memref<2x4x32x128xf32, #tpu.memory_space<vmem>>, vector<16xf32>,
        %parallel_loop3A_874 = arith.constant 0 : i32
        %parallel_loop3A_875 = arith.constant 1 : i32
        %parallel_loop3A_876 = arith.index_cast %parallel_loop3A_874 : i32 to index
        %parallel_loop3A_877 = arith.index_cast %parallel_loop3A_875 : i32 to index
        %parallel_loop3A_878 = arith.index_cast %parallel_loop3A_435 : i32 to index
        %parallel_loop3A_879 = arith.constant 112 : index
        %parallel_loop3A_880 = tpu.vector_load %arg5[%parallel_loop3A_876, %parallel_loop3A_877, %parallel_loop3A_878, %parallel_loop3A_879] {strides = array<i32>} : memref<2x4x32x128xf32, #tpu.memory_space<vmem>>, vector<16xf32>,
        %parallel_loop3A_881 = arith.constant 0 : i32
        %parallel_loop3A_882 = arith.constant 2 : i32
        %parallel_loop3A_883 = arith.index_cast %parallel_loop3A_881 : i32 to index
        %parallel_loop3A_884 = arith.index_cast %parallel_loop3A_882 : i32 to index
        %parallel_loop3A_885 = arith.index_cast %parallel_loop3A_435 : i32 to index
        %parallel_loop3A_886 = arith.constant 112 : index
        %parallel_loop3A_887 = tpu.vector_load %arg5[%parallel_loop3A_883, %parallel_loop3A_884, %parallel_loop3A_885, %parallel_loop3A_886] {strides = array<i32>} : memref<2x4x32x128xf32, #tpu.memory_space<vmem>>, vector<16xf32>,
        %parallel_loop3A_888 = arith.constant 0 : i32
        %parallel_loop3A_889 = arith.constant 3 : i32
        %parallel_loop3A_890 = arith.index_cast %parallel_loop3A_888 : i32 to index
        %parallel_loop3A_891 = arith.index_cast %parallel_loop3A_889 : i32 to index
        %parallel_loop3A_892 = arith.index_cast %parallel_loop3A_435 : i32 to index
        %parallel_loop3A_893 = arith.constant 112 : index
        %parallel_loop3A_894 = tpu.vector_load %arg5[%parallel_loop3A_890, %parallel_loop3A_891, %parallel_loop3A_892, %parallel_loop3A_893] {strides = array<i32>} : memref<2x4x32x128xf32, #tpu.memory_space<vmem>>, vector<16xf32>,
        %parallel_loop3A_895 = arith.subf %mul3A_213, %parallel_loop3A_873 : vector<16xf32>
        %parallel_loop3A_896 = arith.constant 0 : i32
        %parallel_loop3A_897 = arith.addi %parallel_loop3A_446, %parallel_loop3A_896 : i32
        %parallel_loop3A_898 = arith.constant 0 : i32
        %parallel_loop3A_899 = arith.index_cast %parallel_loop3A_898 : i32 to index
        %parallel_loop3A_900 = arith.index_cast %parallel_loop3A_897 : i32 to index
        %parallel_loop3A_901 = arith.constant 112 : index
        %parallel_loop3A_902 = tpu.vector_load %arg6[%parallel_loop3A_899, %parallel_loop3A_900, %parallel_loop3A_901] {strides = array<i32>} : memref<2x128x128xf32, #tpu.memory_space<vmem>>, vector<16xf32>,
        tpu.vector_store %arg6[%parallel_loop3A_899, %parallel_loop3A_900, %parallel_loop3A_901], %parallel_loop3A_895 {strides = array<i32>} : memref<2x128x128xf32, #tpu.memory_space<vmem>>, vector<16xf32>,
        %parallel_loop3A_903 = arith.subf %parallel_loop3A_444, %parallel_loop3A_880 : vector<16xf32>
        %parallel_loop3A_904 = arith.constant 1 : i32
        %parallel_loop3A_905 = arith.addi %parallel_loop3A_446, %parallel_loop3A_904 : i32
        %parallel_loop3A_906 = arith.constant 0 : i32
        %parallel_loop3A_907 = arith.index_cast %parallel_loop3A_906 : i32 to index
        %parallel_loop3A_908 = arith.index_cast %parallel_loop3A_905 : i32 to index
        %parallel_loop3A_909 = arith.constant 112 : index
        %parallel_loop3A_910 = tpu.vector_load %arg6[%parallel_loop3A_907, %parallel_loop3A_908, %parallel_loop3A_909] {strides = array<i32>} : memref<2x128x128xf32, #tpu.memory_space<vmem>>, vector<16xf32>,
        tpu.vector_store %arg6[%parallel_loop3A_907, %parallel_loop3A_908, %parallel_loop3A_909], %parallel_loop3A_903 {strides = array<i32>} : memref<2x128x128xf32, #tpu.memory_space<vmem>>, vector<16xf32>,
        %parallel_loop3A_911 = arith.addf %mul3A_213, %parallel_loop3A_887 : vector<16xf32>
        %parallel_loop3A_912 = arith.constant 2 : i32
        %parallel_loop3A_913 = arith.addi %parallel_loop3A_446, %parallel_loop3A_912 : i32
        %parallel_loop3A_914 = arith.constant 0 : i32
        %parallel_loop3A_915 = arith.index_cast %parallel_loop3A_914 : i32 to index
        %parallel_loop3A_916 = arith.index_cast %parallel_loop3A_913 : i32 to index
        %parallel_loop3A_917 = arith.constant 112 : index
        %parallel_loop3A_918 = tpu.vector_load %arg6[%parallel_loop3A_915, %parallel_loop3A_916, %parallel_loop3A_917] {strides = array<i32>} : memref<2x128x128xf32, #tpu.memory_space<vmem>>, vector<16xf32>,
        tpu.vector_store %arg6[%parallel_loop3A_915, %parallel_loop3A_916, %parallel_loop3A_917], %parallel_loop3A_911 {strides = array<i32>} : memref<2x128x128xf32, #tpu.memory_space<vmem>>, vector<16xf32>,
        %parallel_loop3A_919 = arith.addf %parallel_loop3A_444, %parallel_loop3A_894 : vector<16xf32>
        %parallel_loop3A_920 = arith.constant 3 : i32
        %parallel_loop3A_921 = arith.addi %parallel_loop3A_446, %parallel_loop3A_920 : i32
        %parallel_loop3A_922 = arith.constant 0 : i32
        %parallel_loop3A_923 = arith.index_cast %parallel_loop3A_922 : i32 to index
        %parallel_loop3A_924 = arith.index_cast %parallel_loop3A_921 : i32 to index
        %parallel_loop3A_925 = arith.constant 112 : index
        %parallel_loop3A_926 = tpu.vector_load %arg6[%parallel_loop3A_923, %parallel_loop3A_924, %parallel_loop3A_925] {strides = array<i32>} : memref<2x128x128xf32, #tpu.memory_space<vmem>>, vector<16xf32>,
        tpu.vector_store %arg6[%parallel_loop3A_923, %parallel_loop3A_924, %parallel_loop3A_925], %parallel_loop3A_919 {strides = array<i32>} : memref<2x128x128xf32, #tpu.memory_space<vmem>>, vector<16xf32>,
      } {sc.loop_unroll_factor = 4 : i64, sc.parallel_access}
      %lt3A_216 = arith.constant 3 : i32
      %lt3A_217 = arith.cmpi slt, %scan3A_141, %lt3A_216 : i32
      %convert_element_type3A_218 = arith.extui %lt3A_217 : i1 to i32
      %cond3A_219 = arith.constant 0 : i32
      %cond3A_220 = arith.cmpi ne, %convert_element_type3A_218, %cond3A_219 : i32
      scf.if %cond3A_220 {
        %add3A_435 = arith.constant 2 : i32
        %add3A_436 = arith.addi %add3A_145, %add3A_435 : i32
        %jit3A_437 = arith.constant 4 : i32
        %div3A_438 = arith.divsi %add3A_436, %jit3A_437 : i32
        %sign3A_439 = arith.constant 0 : i32
        %sign3A_440 = arith.cmpi sgt, %add3A_436, %sign3A_439 : i32
        %sign3A_441 = arith.extui %sign3A_440 : i1 to i32
        %sign3A_442 = arith.constant 0 : i32
        %sign3A_443 = arith.cmpi slt, %add3A_436, %sign3A_442 : i32
        %sign3A_444 = arith.extui %sign3A_443 : i1 to i32
        %sign3A_445 = arith.subi %sign3A_441, %sign3A_444 : i32
        %sign3A_446 = arith.constant 0 : i32
        %sign3A_447 = arith.cmpi sgt, %jit3A_437, %sign3A_446 : i32
        %sign3A_448 = arith.extui %sign3A_447 : i1 to i32
        %sign3A_449 = arith.constant 0 : i32
        %sign3A_450 = arith.cmpi slt, %jit3A_437, %sign3A_449 : i32
        %sign3A_451 = arith.extui %sign3A_450 : i1 to i32
        %sign3A_452 = arith.subi %sign3A_448, %sign3A_451 : i32
        %ne3A_453 = arith.cmpi ne, %sign3A_445, %sign3A_452 : i32
        %rem3A_454 = arith.remsi %add3A_436, %jit3A_437 : i32
        %ne3A_455 = arith.constant 0 : i32
        %ne3A_456 = arith.cmpi ne, %rem3A_454, %ne3A_455 : i32
        %and3A_457 = arith.andi %ne3A_453, %ne3A_456 : i1
        %sub3A_458 = arith.constant 1 : i32
        %sub3A_459 = arith.subi %div3A_438, %sub3A_458 : i32
        %select_n3A_460 = arith.select %and3A_457, %sub3A_459, %div3A_438 : i32
        %jit3A_461 = arith.constant 4 : i32
        %eq3A_462 = arith.constant 0 : i32
        %eq3A_463 = arith.cmpi eq, %jit3A_461, %eq3A_462 : i32
        %jit3A_464 = arith.constant 1 : i32
        %select_n3A_465 = arith.select %eq3A_463, %jit3A_464, %jit3A_461 : i32
        %rem3A_466 = arith.remsi %add3A_436, %select_n3A_465 : i32
        %ne3A_467 = arith.constant 0 : i32
        %ne3A_468 = arith.cmpi ne, %rem3A_466, %ne3A_467 : i32
        %lt3A_469 = arith.constant 0 : i32
        %lt3A_470 = arith.cmpi slt, %rem3A_466, %lt3A_469 : i32
        %lt3A_471 = arith.constant 0 : i32
        %lt3A_472 = arith.cmpi slt, %select_n3A_465, %lt3A_471 : i32
        %ne3A_473 = arith.xori %lt3A_470, %lt3A_472 : i1
        %and3A_474 = arith.andi %ne3A_473, %ne3A_468 : i1
        %add3A_475 = arith.addi %rem3A_466, %select_n3A_465 : i32
        %select_n3A_476 = arith.select %and3A_474, %add3A_475, %rem3A_466 : i32
        %add3A_477 = arith.addi %mul3A_2, %select_n3A_460 : i32
        %mul3A_478 = arith.constant 32 : i32
        %mul3A_479 = arith.muli %select_n3A_476, %mul3A_478 : i32
        %dma_start3A_480 = arith.constant 0 : i32
        %dma_start3A_481 = arith.constant 0 : i32
        %dma_start3A_482 = arith.constant 0 : i32
        %dma_start3A_483 = arith.constant 0 : i32
        %dma_start3A_484 = tpu.memref_slice %arg5[%dma_start3A_480, %dma_start3A_481, %dma_start3A_482, %dma_start3A_483] : memref<2x4x32x128xf32, #tpu.memory_space<vmem>> -> memref<1x4x32x128xf32, #tpu.memory_space<vmem>>
        %dma_start3A_485 = tpu.memref_squeeze %dma_start3A_484 : memref<1x4x32x128xf32, #tpu.memory_space<vmem>> -> memref<4x32x128xf32, #tpu.memory_space<vmem>>
        %dma_start3A_486 = arith.constant 0 : i32
        %dma_start3A_487 = arith.constant 0 : i32
        %dma_start3A_488 = tpu.memref_slice %arg2[%add3A_477, %dma_start3A_486, %mul3A_479, %dma_start3A_487] : memref<64x4x128x128xf32, #tpu.memory_space<hbm>> -> memref<1x4x32x128xf32, #tpu.memory_space<hbm>>
        %dma_start3A_489 = tpu.memref_squeeze %dma_start3A_488 : memref<1x4x32x128xf32, #tpu.memory_space<hbm>> -> memref<4x32x128xf32, #tpu.memory_space<hbm>>
        %dma_start3A_490 = arith.constant 0 : i32
        %dma_start3A_491 = arith.constant 0 : i32
        %dma_start3A_492 = arith.constant 0 : i32
        %dma_start3A_493 = tpu.memref_slice %arg5[%dma_start3A_480, %dma_start3A_490, %dma_start3A_491, %dma_start3A_492] : memref<2x4x32x128xf32, #tpu.memory_space<vmem>> -> memref<1x4x32x128xf32, #tpu.memory_space<vmem>>
        %dma_start3A_494 = tpu.memref_squeeze %dma_start3A_493 : memref<1x4x32x128xf32, #tpu.memory_space<vmem>> -> memref<4x32x128xf32, #tpu.memory_space<vmem>>
        %dma_start3A_495 = arith.constant 0 : i32
        %dma_start3A_496 = arith.constant 0 : i32
        %dma_start3A_497 = tpu.memref_slice %arg2[%add3A_477, %dma_start3A_495, %mul3A_479, %dma_start3A_496] : memref<64x4x128x128xf32, #tpu.memory_space<hbm>> -> memref<1x4x32x128xf32, #tpu.memory_space<hbm>>
        %dma_start3A_498 = tpu.memref_squeeze %dma_start3A_497 : memref<1x4x32x128xf32, #tpu.memory_space<hbm>> -> memref<4x32x128xf32, #tpu.memory_space<hbm>>
        tpu.enqueue_dma source(%dma_start3A_498 : memref<4x32x128xf32, #tpu.memory_space<hbm>>) target(%dma_start3A_494 : memref<4x32x128xf32, #tpu.memory_space<vmem>>) target_semaphore(%arg8 : memref<!tpu.dma_semaphore, #tpu.memory_space<semaphore_mem>>)
      } else {
      }
      %jit3A_221 = arith.constant 4 : i32
      %div3A_222 = arith.divsi %add3A_145, %jit3A_221 : i32
      %sign3A_223 = arith.constant 0 : i32
      %sign3A_224 = arith.cmpi sgt, %add3A_145, %sign3A_223 : i32
      %sign3A_225 = arith.extui %sign3A_224 : i1 to i32
      %sign3A_226 = arith.constant 0 : i32
      %sign3A_227 = arith.cmpi slt, %add3A_145, %sign3A_226 : i32
      %sign3A_228 = arith.extui %sign3A_227 : i1 to i32
      %sign3A_229 = arith.subi %sign3A_225, %sign3A_228 : i32
      %sign3A_230 = arith.constant 0 : i32
      %sign3A_231 = arith.cmpi sgt, %jit3A_221, %sign3A_230 : i32
      %sign3A_232 = arith.extui %sign3A_231 : i1 to i32
      %sign3A_233 = arith.constant 0 : i32
      %sign3A_234 = arith.cmpi slt, %jit3A_221, %sign3A_233 : i32
      %sign3A_235 = arith.extui %sign3A_234 : i1 to i32
      %sign3A_236 = arith.subi %sign3A_232, %sign3A_235 : i32
      %ne3A_237 = arith.cmpi ne, %sign3A_229, %sign3A_236 : i32
      %rem3A_238 = arith.remsi %add3A_145, %jit3A_221 : i32
      %ne3A_239 = arith.constant 0 : i32
      %ne3A_240 = arith.cmpi ne, %rem3A_238, %ne3A_239 : i32
      %and3A_241 = arith.andi %ne3A_237, %ne3A_240 : i1
      %sub3A_242 = arith.constant 1 : i32
      %sub3A_243 = arith.subi %div3A_222, %sub3A_242 : i32
      %select_n3A_244 = arith.select %and3A_241, %sub3A_243, %div3A_222 : i32
      %jit3A_245 = arith.constant 4 : i32
      %eq3A_246 = arith.constant 0 : i32
      %eq3A_247 = arith.cmpi eq, %jit3A_245, %eq3A_246 : i32
      %jit3A_248 = arith.constant 1 : i32
      %select_n3A_249 = arith.select %eq3A_247, %jit3A_248, %jit3A_245 : i32
      %rem3A_250 = arith.remsi %add3A_145, %select_n3A_249 : i32
      %ne3A_251 = arith.constant 0 : i32
      %ne3A_252 = arith.cmpi ne, %rem3A_250, %ne3A_251 : i32
      %lt3A_253 = arith.constant 0 : i32
      %lt3A_254 = arith.cmpi slt, %rem3A_250, %lt3A_253 : i32
      %lt3A_255 = arith.constant 0 : i32
      %lt3A_256 = arith.cmpi slt, %select_n3A_249, %lt3A_255 : i32
      %ne3A_257 = arith.xori %lt3A_254, %lt3A_256 : i1
      %and3A_258 = arith.andi %ne3A_257, %ne3A_252 : i1
      %add3A_259 = arith.addi %rem3A_250, %select_n3A_249 : i32
      %select_n3A_260 = arith.select %and3A_258, %add3A_259, %rem3A_250 : i32
      %add3A_261 = arith.addi %mul3A_2, %select_n3A_244 : i32
      %mul3A_262 = arith.constant 32 : i32
      %mul3A_263 = arith.muli %select_n3A_260, %mul3A_262 : i32
      %mul3A_264 = arith.constant 4 : i32
      %mul3A_265 = arith.muli %mul3A_263, %mul3A_264 : i32
      %dma_start3A_266 = arith.constant 0 : i32
      %dma_start3A_267 = arith.constant 0 : i32
      %dma_start3A_268 = arith.constant 0 : i32
      %dma_start3A_269 = tpu.memref_slice %arg6[%dma_start3A_266, %dma_start3A_267, %dma_start3A_268] : memref<2x128x128xf32, #tpu.memory_space<vmem>> -> memref<1x128x128xf32, #tpu.memory_space<vmem>>
      %dma_start3A_270 = tpu.memref_squeeze %dma_start3A_269 : memref<1x128x128xf32, #tpu.memory_space<vmem>> -> memref<128x128xf32, #tpu.memory_space<vmem>>
      %dma_start3A_271 = arith.constant 0 : i32
      %dma_start3A_272 = tpu.memref_slice %arg4[%add3A_261, %mul3A_265, %dma_start3A_271] : memref<64x512x128xf32, #tpu.memory_space<hbm>> -> memref<1x128x128xf32, #tpu.memory_space<hbm>>
      %dma_start3A_273 = tpu.memref_squeeze %dma_start3A_272 : memref<1x128x128xf32, #tpu.memory_space<hbm>> -> memref<128x128xf32, #tpu.memory_space<hbm>>
      %dma_start3A_274 = arith.constant 0 : i32
      %dma_start3A_275 = tpu.memref_slice %arg4[%add3A_261, %mul3A_265, %dma_start3A_274] : memref<64x512x128xf32, #tpu.memory_space<hbm>> -> memref<1x128x128xf32, #tpu.memory_space<hbm>>
      %dma_start3A_276 = tpu.memref_squeeze %dma_start3A_275 : memref<1x128x128xf32, #tpu.memory_space<hbm>> -> memref<128x128xf32, #tpu.memory_space<hbm>>
      %dma_start3A_277 = arith.constant 0 : i32
      %dma_start3A_278 = arith.constant 0 : i32
      %dma_start3A_279 = tpu.memref_slice %arg6[%dma_start3A_266, %dma_start3A_277, %dma_start3A_278] : memref<2x128x128xf32, #tpu.memory_space<vmem>> -> memref<1x128x128xf32, #tpu.memory_space<vmem>>
      %dma_start3A_280 = tpu.memref_squeeze %dma_start3A_279 : memref<1x128x128xf32, #tpu.memory_space<vmem>> -> memref<128x128xf32, #tpu.memory_space<vmem>>
      tpu.enqueue_dma source(%dma_start3A_280 : memref<128x128xf32, #tpu.memory_space<vmem>>) target(%dma_start3A_276 : memref<128x128xf32, #tpu.memory_space<hbm>>) target_semaphore(%arg10 : memref<!tpu.dma_semaphore, #tpu.memory_space<semaphore_mem>>)
      %mul3A_281 = arith.constant 2 : i32
      %mul3A_282 = arith.muli %mul3A_281, %scan3A_141 : i32
      %add3A_283 = arith.constant 1 : i32
      %add3A_284 = arith.addi %mul3A_282, %add3A_283 : i32
      %gt3A_285 = arith.constant 0 : i32
      %gt3A_286 = arith.cmpi sgt, %scan3A_141, %gt3A_285 : i32
      %convert_element_type3A_287 = arith.extui %gt3A_286 : i1 to i32
      %cond3A_288 = arith.constant 0 : i32
      %cond3A_289 = arith.cmpi ne, %convert_element_type3A_287, %cond3A_288 : i32
      scf.if %cond3A_289 {
        %dma_wait3A_435 = arith.constant 1 : i32
        %dma_wait3A_436 = arith.constant 0 : i32
        %dma_wait3A_437 = arith.constant 0 : i32
        %dma_wait3A_438 = tpu.memref_slice %arg6[%dma_wait3A_435, %dma_wait3A_436, %dma_wait3A_437] : memref<2x128x128xf32, #tpu.memory_space<vmem>> -> memref<1x128x128xf32, #tpu.memory_space<vmem>>
        %dma_wait3A_439 = tpu.memref_squeeze %dma_wait3A_438 : memref<1x128x128xf32, #tpu.memory_space<vmem>> -> memref<128x128xf32, #tpu.memory_space<vmem>>
        %dma_wait3A_440 = arith.constant 0 : i32
        %dma_wait3A_441 = arith.constant 0 : i32
        %dma_wait3A_442 = tpu.memref_slice %arg4[%mul3A_2, %dma_wait3A_440, %dma_wait3A_441] : memref<64x512x128xf32, #tpu.memory_space<hbm>> -> memref<1x128x128xf32, #tpu.memory_space<hbm>>
        %dma_wait3A_443 = tpu.memref_squeeze %dma_wait3A_442 : memref<1x128x128xf32, #tpu.memory_space<hbm>> -> memref<128x128xf32, #tpu.memory_space<hbm>>
        %dma_wait3A_444 = arith.constant 0 : i32
        %dma_wait3A_445 = arith.constant 0 : i32
        %dma_wait3A_446 = tpu.memref_slice %arg4[%mul3A_2, %dma_wait3A_444, %dma_wait3A_445] : memref<64x512x128xf32, #tpu.memory_space<hbm>> -> memref<1x128x128xf32, #tpu.memory_space<hbm>>
        %dma_wait3A_447 = tpu.memref_squeeze %dma_wait3A_446 : memref<1x128x128xf32, #tpu.memory_space<hbm>> -> memref<128x128xf32, #tpu.memory_space<hbm>>
        %dma_wait3A_448 = arith.constant 0 : i32
        %dma_wait3A_449 = arith.constant 0 : i32
        %dma_wait3A_450 = tpu.memref_slice %arg6[%dma_wait3A_435, %dma_wait3A_448, %dma_wait3A_449] : memref<2x128x128xf32, #tpu.memory_space<vmem>> -> memref<1x128x128xf32, #tpu.memory_space<vmem>>
        %dma_wait3A_451 = tpu.memref_squeeze %dma_wait3A_450 : memref<1x128x128xf32, #tpu.memory_space<vmem>> -> memref<128x128xf32, #tpu.memory_space<vmem>>
        tpu.wait_dma2 semaphore(%arg11 : memref<!tpu.dma_semaphore, #tpu.memory_space<semaphore_mem>>) src(%dma_wait3A_451 : memref<128x128xf32, #tpu.memory_space<vmem>>) dst(%dma_wait3A_447 : memref<128x128xf32, #tpu.memory_space<hbm>>)
      } else {
      }
      %dma_wait3A_290 = arith.constant 1 : i32
      %dma_wait3A_291 = arith.constant 0 : i32
      %dma_wait3A_292 = arith.constant 0 : i32
      %dma_wait3A_293 = arith.constant 0 : i32
      %dma_wait3A_294 = tpu.memref_slice %arg5[%dma_wait3A_290, %dma_wait3A_291, %dma_wait3A_292, %dma_wait3A_293] : memref<2x4x32x128xf32, #tpu.memory_space<vmem>> -> memref<1x4x32x128xf32, #tpu.memory_space<vmem>>
      %dma_wait3A_295 = tpu.memref_squeeze %dma_wait3A_294 : memref<1x4x32x128xf32, #tpu.memory_space<vmem>> -> memref<4x32x128xf32, #tpu.memory_space<vmem>>
      %dma_wait3A_296 = arith.constant 0 : i32
      %dma_wait3A_297 = arith.constant 0 : i32
      %dma_wait3A_298 = arith.constant 0 : i32
      %dma_wait3A_299 = tpu.memref_slice %arg2[%mul3A_2, %dma_wait3A_296, %dma_wait3A_297, %dma_wait3A_298] : memref<64x4x128x128xf32, #tpu.memory_space<hbm>> -> memref<1x4x32x128xf32, #tpu.memory_space<hbm>>
      %dma_wait3A_300 = tpu.memref_squeeze %dma_wait3A_299 : memref<1x4x32x128xf32, #tpu.memory_space<hbm>> -> memref<4x32x128xf32, #tpu.memory_space<hbm>>
      %dma_wait3A_301 = arith.constant 0 : i32
      %dma_wait3A_302 = arith.constant 0 : i32
      %dma_wait3A_303 = arith.constant 0 : i32
      %dma_wait3A_304 = tpu.memref_slice %arg5[%dma_wait3A_290, %dma_wait3A_301, %dma_wait3A_302, %dma_wait3A_303] : memref<2x4x32x128xf32, #tpu.memory_space<vmem>> -> memref<1x4x32x128xf32, #tpu.memory_space<vmem>>
      %dma_wait3A_305 = tpu.memref_squeeze %dma_wait3A_304 : memref<1x4x32x128xf32, #tpu.memory_space<vmem>> -> memref<4x32x128xf32, #tpu.memory_space<vmem>>
      %dma_wait3A_306 = arith.constant 0 : i32
      %dma_wait3A_307 = arith.constant 0 : i32
      %dma_wait3A_308 = arith.constant 0 : i32
      %dma_wait3A_309 = tpu.memref_slice %arg2[%mul3A_2, %dma_wait3A_306, %dma_wait3A_307, %dma_wait3A_308] : memref<64x4x128x128xf32, #tpu.memory_space<hbm>> -> memref<1x4x32x128xf32, #tpu.memory_space<hbm>>
      %dma_wait3A_310 = tpu.memref_squeeze %dma_wait3A_309 : memref<1x4x32x128xf32, #tpu.memory_space<hbm>> -> memref<4x32x128xf32, #tpu.memory_space<hbm>>
      tpu.wait_dma2 semaphore(%arg9 : memref<!tpu.dma_semaphore, #tpu.memory_space<semaphore_mem>>) src(%dma_wait3A_310 : memref<4x32x128xf32, #tpu.memory_space<hbm>>) dst(%dma_wait3A_305 : memref<4x32x128xf32, #tpu.memory_space<vmem>>)
      %jit3A_311 = arith.constant 4 : i32
      %div3A_312 = arith.divsi %add3A_284, %jit3A_311 : i32
      %sign3A_313 = arith.constant 0 : i32
      %sign3A_314 = arith.cmpi sgt, %add3A_284, %sign3A_313 : i32
      %sign3A_315 = arith.extui %sign3A_314 : i1 to i32
      %sign3A_316 = arith.constant 0 : i32
      %sign3A_317 = arith.cmpi slt, %add3A_284, %sign3A_316 : i32
      %sign3A_318 = arith.extui %sign3A_317 : i1 to i32
      %sign3A_319 = arith.subi %sign3A_315, %sign3A_318 : i32
      %sign3A_320 = arith.constant 0 : i32
      %sign3A_321 = arith.cmpi sgt, %jit3A_311, %sign3A_320 : i32
      %sign3A_322 = arith.extui %sign3A_321 : i1 to i32
      %sign3A_323 = arith.constant 0 : i32
      %sign3A_324 = arith.cmpi slt, %jit3A_311, %sign3A_323 : i32
      %sign3A_325 = arith.extui %sign3A_324 : i1 to i32
      %sign3A_326 = arith.subi %sign3A_322, %sign3A_325 : i32
      %ne3A_327 = arith.cmpi ne, %sign3A_319, %sign3A_326 : i32
      %rem3A_328 = arith.remsi %add3A_284, %jit3A_311 : i32
      %ne3A_329 = arith.constant 0 : i32
      %ne3A_330 = arith.cmpi ne, %rem3A_328, %ne3A_329 : i32
      %and3A_331 = arith.andi %ne3A_327, %ne3A_330 : i1
      %sub3A_332 = arith.constant 1 : i32
      %sub3A_333 = arith.subi %div3A_312, %sub3A_332 : i32
      %select_n3A_334 = arith.select %and3A_331, %sub3A_333, %div3A_312 : i32
      %jit3A_335 = arith.constant 4 : i32
      %eq3A_336 = arith.constant 0 : i32
      %eq3A_337 = arith.cmpi eq, %jit3A_335, %eq3A_336 : i32
      %jit3A_338 = arith.constant 1 : i32
      %select_n3A_339 = arith.select %eq3A_337, %jit3A_338, %jit3A_335 : i32
      %rem3A_340 = arith.remsi %add3A_284, %select_n3A_339 : i32
      %ne3A_341 = arith.constant 0 : i32
      %ne3A_342 = arith.cmpi ne, %rem3A_340, %ne3A_341 : i32
      %lt3A_343 = arith.constant 0 : i32
      %lt3A_344 = arith.cmpi slt, %rem3A_340, %lt3A_343 : i32
      %lt3A_345 = arith.constant 0 : i32
      %lt3A_346 = arith.cmpi slt, %select_n3A_339, %lt3A_345 : i32
      %ne3A_347 = arith.xori %lt3A_344, %lt3A_346 : i1
      %and3A_348 = arith.andi %ne3A_347, %ne3A_342 : i1
      %add3A_349 = arith.addi %rem3A_340, %select_n3A_339 : i32
      %select_n3A_350 = arith.select %and3A_348, %add3A_349, %rem3A_340 : i32
      %add3A_351 = arith.addi %mul3A_2, %select_n3A_334 : i32
      %broadcast_in_dim3A_352 = vector.broadcast %add3A_351 : i32 to vector<16xi32>
      %broadcast_in_dim3A_353 = arith.constant 0 : i32
      %broadcast_in_dim3A_354 = vector.broadcast %broadcast_in_dim3A_353 : i32 to vector<16xi32>
      %gather3A_355 = tpu.vector_load_idx %arg7[%broadcast_in_dim3A_352, %broadcast_in_dim3A_354] : memref<64x2xf32, #tpu.memory_space<vmem>>[vector<16xi32>, vector<16xi32>], vector<16xf32>,
      %broadcast_in_dim3A_356 = arith.constant 1 : i32
      %broadcast_in_dim3A_357 = vector.broadcast %broadcast_in_dim3A_356 : i32 to vector<16xi32>
      %gather3A_358 = tpu.vector_load_idx %arg7[%broadcast_in_dim3A_352, %broadcast_in_dim3A_357] : memref<64x2xf32, #tpu.memory_space<vmem>>[vector<16xi32>, vector<16xi32>], vector<16xf32>,
      %mul3A_359 = arith.mulf %add3A_8, %gather3A_358 : vector<16xf32>
      %mul3A_360 = arith.mulf %add3A_15, %gather3A_358 : vector<16xf32>
      %mul3A_361 = arith.mulf %add3A_22, %gather3A_358 : vector<16xf32>
      %mul3A_362 = arith.mulf %add3A_29, %gather3A_358 : vector<16xf32>
      %mul3A_363 = arith.mulf %add3A_36, %gather3A_358 : vector<16xf32>
      %mul3A_364 = arith.mulf %add3A_43, %gather3A_358 : vector<16xf32>
      %mul3A_365 = arith.mulf %add3A_50, %gather3A_358 : vector<16xf32>
      %mul3A_366 = arith.mulf %add3A_57, %gather3A_358 : vector<16xf32>
      %parallel_loop3A_367 = arith.constant 0 : i32
      %parallel_loop3A_368 = arith.constant 32 : i32
      %parallel_loop3A_369 = arith.constant 1 : i32
      scf.for %parallel_loop3A_435 = %parallel_loop3A_367 to %parallel_loop3A_368 step %parallel_loop3A_369  : i32 {
        %parallel_loop3A_436 = arith.constant 32 : i32
        %parallel_loop3A_437 = arith.muli %select_n3A_350, %parallel_loop3A_436 : i32
        %parallel_loop3A_438 = arith.addi %parallel_loop3A_437, %parallel_loop3A_435 : i32
        %parallel_loop3A_439 = vector.broadcast %parallel_loop3A_438 : i32 to vector<16xi32>
        %parallel_loop3A_440 = arith.sitofp %parallel_loop3A_439 : vector<16xi32> to vector<16xf32>
        %parallel_loop3A_441 = arith.constant 5.000000e-01 : f32
        %parallel_loop3A_442 = vector.broadcast %parallel_loop3A_441 : f32 to vector<16xf32>
        %parallel_loop3A_443 = arith.addf %parallel_loop3A_440, %parallel_loop3A_442 : vector<16xf32>
        %parallel_loop3A_444 = arith.mulf %parallel_loop3A_443, %gather3A_355 : vector<16xf32>
        %parallel_loop3A_445 = arith.constant 4 : i32
        %parallel_loop3A_446 = arith.muli %parallel_loop3A_435, %parallel_loop3A_445 : i32
        %parallel_loop3A_447 = arith.constant 1 : i32
        %parallel_loop3A_448 = arith.constant 0 : i32
        %parallel_loop3A_449 = arith.index_cast %parallel_loop3A_447 : i32 to index
        %parallel_loop3A_450 = arith.index_cast %parallel_loop3A_448 : i32 to index
        %parallel_loop3A_451 = arith.index_cast %parallel_loop3A_435 : i32 to index
        %parallel_loop3A_452 = arith.constant 0 : index
        %parallel_loop3A_453 = tpu.vector_load %arg5[%parallel_loop3A_449, %parallel_loop3A_450, %parallel_loop3A_451, %parallel_loop3A_452] {strides = array<i32>} : memref<2x4x32x128xf32, #tpu.memory_space<vmem>>, vector<16xf32>,
        %parallel_loop3A_454 = arith.constant 1 : i32
        %parallel_loop3A_455 = arith.constant 1 : i32
        %parallel_loop3A_456 = arith.index_cast %parallel_loop3A_454 : i32 to index
        %parallel_loop3A_457 = arith.index_cast %parallel_loop3A_455 : i32 to index
        %parallel_loop3A_458 = arith.index_cast %parallel_loop3A_435 : i32 to index
        %parallel_loop3A_459 = arith.constant 0 : index
        %parallel_loop3A_460 = tpu.vector_load %arg5[%parallel_loop3A_456, %parallel_loop3A_457, %parallel_loop3A_458, %parallel_loop3A_459] {strides = array<i32>} : memref<2x4x32x128xf32, #tpu.memory_space<vmem>>, vector<16xf32>,
        %parallel_loop3A_461 = arith.constant 1 : i32
        %parallel_loop3A_462 = arith.constant 2 : i32
        %parallel_loop3A_463 = arith.index_cast %parallel_loop3A_461 : i32 to index
        %parallel_loop3A_464 = arith.index_cast %parallel_loop3A_462 : i32 to index
        %parallel_loop3A_465 = arith.index_cast %parallel_loop3A_435 : i32 to index
        %parallel_loop3A_466 = arith.constant 0 : index
        %parallel_loop3A_467 = tpu.vector_load %arg5[%parallel_loop3A_463, %parallel_loop3A_464, %parallel_loop3A_465, %parallel_loop3A_466] {strides = array<i32>} : memref<2x4x32x128xf32, #tpu.memory_space<vmem>>, vector<16xf32>,
        %parallel_loop3A_468 = arith.constant 1 : i32
        %parallel_loop3A_469 = arith.constant 3 : i32
        %parallel_loop3A_470 = arith.index_cast %parallel_loop3A_468 : i32 to index
        %parallel_loop3A_471 = arith.index_cast %parallel_loop3A_469 : i32 to index
        %parallel_loop3A_472 = arith.index_cast %parallel_loop3A_435 : i32 to index
        %parallel_loop3A_473 = arith.constant 0 : index
        %parallel_loop3A_474 = tpu.vector_load %arg5[%parallel_loop3A_470, %parallel_loop3A_471, %parallel_loop3A_472, %parallel_loop3A_473] {strides = array<i32>} : memref<2x4x32x128xf32, #tpu.memory_space<vmem>>, vector<16xf32>,
        %parallel_loop3A_475 = arith.subf %mul3A_359, %parallel_loop3A_453 : vector<16xf32>
        %parallel_loop3A_476 = arith.constant 0 : i32
        %parallel_loop3A_477 = arith.addi %parallel_loop3A_446, %parallel_loop3A_476 : i32
        %parallel_loop3A_478 = arith.constant 1 : i32
        %parallel_loop3A_479 = arith.index_cast %parallel_loop3A_478 : i32 to index
        %parallel_loop3A_480 = arith.index_cast %parallel_loop3A_477 : i32 to index
        %parallel_loop3A_481 = arith.constant 0 : index
        %parallel_loop3A_482 = tpu.vector_load %arg6[%parallel_loop3A_479, %parallel_loop3A_480, %parallel_loop3A_481] {strides = array<i32>} : memref<2x128x128xf32, #tpu.memory_space<vmem>>, vector<16xf32>,
        tpu.vector_store %arg6[%parallel_loop3A_479, %parallel_loop3A_480, %parallel_loop3A_481], %parallel_loop3A_475 {strides = array<i32>} : memref<2x128x128xf32, #tpu.memory_space<vmem>>, vector<16xf32>,
        %parallel_loop3A_483 = arith.subf %parallel_loop3A_444, %parallel_loop3A_460 : vector<16xf32>
        %parallel_loop3A_484 = arith.constant 1 : i32
        %parallel_loop3A_485 = arith.addi %parallel_loop3A_446, %parallel_loop3A_484 : i32
        %parallel_loop3A_486 = arith.constant 1 : i32
        %parallel_loop3A_487 = arith.index_cast %parallel_loop3A_486 : i32 to index
        %parallel_loop3A_488 = arith.index_cast %parallel_loop3A_485 : i32 to index
        %parallel_loop3A_489 = arith.constant 0 : index
        %parallel_loop3A_490 = tpu.vector_load %arg6[%parallel_loop3A_487, %parallel_loop3A_488, %parallel_loop3A_489] {strides = array<i32>} : memref<2x128x128xf32, #tpu.memory_space<vmem>>, vector<16xf32>,
        tpu.vector_store %arg6[%parallel_loop3A_487, %parallel_loop3A_488, %parallel_loop3A_489], %parallel_loop3A_483 {strides = array<i32>} : memref<2x128x128xf32, #tpu.memory_space<vmem>>, vector<16xf32>,
        %parallel_loop3A_491 = arith.addf %mul3A_359, %parallel_loop3A_467 : vector<16xf32>
        %parallel_loop3A_492 = arith.constant 2 : i32
        %parallel_loop3A_493 = arith.addi %parallel_loop3A_446, %parallel_loop3A_492 : i32
        %parallel_loop3A_494 = arith.constant 1 : i32
        %parallel_loop3A_495 = arith.index_cast %parallel_loop3A_494 : i32 to index
        %parallel_loop3A_496 = arith.index_cast %parallel_loop3A_493 : i32 to index
        %parallel_loop3A_497 = arith.constant 0 : index
        %parallel_loop3A_498 = tpu.vector_load %arg6[%parallel_loop3A_495, %parallel_loop3A_496, %parallel_loop3A_497] {strides = array<i32>} : memref<2x128x128xf32, #tpu.memory_space<vmem>>, vector<16xf32>,
        tpu.vector_store %arg6[%parallel_loop3A_495, %parallel_loop3A_496, %parallel_loop3A_497], %parallel_loop3A_491 {strides = array<i32>} : memref<2x128x128xf32, #tpu.memory_space<vmem>>, vector<16xf32>,
        %parallel_loop3A_499 = arith.addf %parallel_loop3A_444, %parallel_loop3A_474 : vector<16xf32>
        %parallel_loop3A_500 = arith.constant 3 : i32
        %parallel_loop3A_501 = arith.addi %parallel_loop3A_446, %parallel_loop3A_500 : i32
        %parallel_loop3A_502 = arith.constant 1 : i32
        %parallel_loop3A_503 = arith.index_cast %parallel_loop3A_502 : i32 to index
        %parallel_loop3A_504 = arith.index_cast %parallel_loop3A_501 : i32 to index
        %parallel_loop3A_505 = arith.constant 0 : index
        %parallel_loop3A_506 = tpu.vector_load %arg6[%parallel_loop3A_503, %parallel_loop3A_504, %parallel_loop3A_505] {strides = array<i32>} : memref<2x128x128xf32, #tpu.memory_space<vmem>>, vector<16xf32>,
        tpu.vector_store %arg6[%parallel_loop3A_503, %parallel_loop3A_504, %parallel_loop3A_505], %parallel_loop3A_499 {strides = array<i32>} : memref<2x128x128xf32, #tpu.memory_space<vmem>>, vector<16xf32>,
        %parallel_loop3A_507 = arith.constant 1 : i32
        %parallel_loop3A_508 = arith.constant 0 : i32
        %parallel_loop3A_509 = arith.index_cast %parallel_loop3A_507 : i32 to index
        %parallel_loop3A_510 = arith.index_cast %parallel_loop3A_508 : i32 to index
        %parallel_loop3A_511 = arith.index_cast %parallel_loop3A_435 : i32 to index
        %parallel_loop3A_512 = arith.constant 16 : index
        %parallel_loop3A_513 = tpu.vector_load %arg5[%parallel_loop3A_509, %parallel_loop3A_510, %parallel_loop3A_511, %parallel_loop3A_512] {strides = array<i32>} : memref<2x4x32x128xf32, #tpu.memory_space<vmem>>, vector<16xf32>,
        %parallel_loop3A_514 = arith.constant 1 : i32
        %parallel_loop3A_515 = arith.constant 1 : i32
        %parallel_loop3A_516 = arith.index_cast %parallel_loop3A_514 : i32 to index
        %parallel_loop3A_517 = arith.index_cast %parallel_loop3A_515 : i32 to index
        %parallel_loop3A_518 = arith.index_cast %parallel_loop3A_435 : i32 to index
        %parallel_loop3A_519 = arith.constant 16 : index
        %parallel_loop3A_520 = tpu.vector_load %arg5[%parallel_loop3A_516, %parallel_loop3A_517, %parallel_loop3A_518, %parallel_loop3A_519] {strides = array<i32>} : memref<2x4x32x128xf32, #tpu.memory_space<vmem>>, vector<16xf32>,
        %parallel_loop3A_521 = arith.constant 1 : i32
        %parallel_loop3A_522 = arith.constant 2 : i32
        %parallel_loop3A_523 = arith.index_cast %parallel_loop3A_521 : i32 to index
        %parallel_loop3A_524 = arith.index_cast %parallel_loop3A_522 : i32 to index
        %parallel_loop3A_525 = arith.index_cast %parallel_loop3A_435 : i32 to index
        %parallel_loop3A_526 = arith.constant 16 : index
        %parallel_loop3A_527 = tpu.vector_load %arg5[%parallel_loop3A_523, %parallel_loop3A_524, %parallel_loop3A_525, %parallel_loop3A_526] {strides = array<i32>} : memref<2x4x32x128xf32, #tpu.memory_space<vmem>>, vector<16xf32>,
        %parallel_loop3A_528 = arith.constant 1 : i32
        %parallel_loop3A_529 = arith.constant 3 : i32
        %parallel_loop3A_530 = arith.index_cast %parallel_loop3A_528 : i32 to index
        %parallel_loop3A_531 = arith.index_cast %parallel_loop3A_529 : i32 to index
        %parallel_loop3A_532 = arith.index_cast %parallel_loop3A_435 : i32 to index
        %parallel_loop3A_533 = arith.constant 16 : index
        %parallel_loop3A_534 = tpu.vector_load %arg5[%parallel_loop3A_530, %parallel_loop3A_531, %parallel_loop3A_532, %parallel_loop3A_533] {strides = array<i32>} : memref<2x4x32x128xf32, #tpu.memory_space<vmem>>, vector<16xf32>,
        %parallel_loop3A_535 = arith.subf %mul3A_360, %parallel_loop3A_513 : vector<16xf32>
        %parallel_loop3A_536 = arith.constant 0 : i32
        %parallel_loop3A_537 = arith.addi %parallel_loop3A_446, %parallel_loop3A_536 : i32
        %parallel_loop3A_538 = arith.constant 1 : i32
        %parallel_loop3A_539 = arith.index_cast %parallel_loop3A_538 : i32 to index
        %parallel_loop3A_540 = arith.index_cast %parallel_loop3A_537 : i32 to index
        %parallel_loop3A_541 = arith.constant 16 : index
        %parallel_loop3A_542 = tpu.vector_load %arg6[%parallel_loop3A_539, %parallel_loop3A_540, %parallel_loop3A_541] {strides = array<i32>} : memref<2x128x128xf32, #tpu.memory_space<vmem>>, vector<16xf32>,
        tpu.vector_store %arg6[%parallel_loop3A_539, %parallel_loop3A_540, %parallel_loop3A_541], %parallel_loop3A_535 {strides = array<i32>} : memref<2x128x128xf32, #tpu.memory_space<vmem>>, vector<16xf32>,
        %parallel_loop3A_543 = arith.subf %parallel_loop3A_444, %parallel_loop3A_520 : vector<16xf32>
        %parallel_loop3A_544 = arith.constant 1 : i32
        %parallel_loop3A_545 = arith.addi %parallel_loop3A_446, %parallel_loop3A_544 : i32
        %parallel_loop3A_546 = arith.constant 1 : i32
        %parallel_loop3A_547 = arith.index_cast %parallel_loop3A_546 : i32 to index
        %parallel_loop3A_548 = arith.index_cast %parallel_loop3A_545 : i32 to index
        %parallel_loop3A_549 = arith.constant 16 : index
        %parallel_loop3A_550 = tpu.vector_load %arg6[%parallel_loop3A_547, %parallel_loop3A_548, %parallel_loop3A_549] {strides = array<i32>} : memref<2x128x128xf32, #tpu.memory_space<vmem>>, vector<16xf32>,
        tpu.vector_store %arg6[%parallel_loop3A_547, %parallel_loop3A_548, %parallel_loop3A_549], %parallel_loop3A_543 {strides = array<i32>} : memref<2x128x128xf32, #tpu.memory_space<vmem>>, vector<16xf32>,
        %parallel_loop3A_551 = arith.addf %mul3A_360, %parallel_loop3A_527 : vector<16xf32>
        %parallel_loop3A_552 = arith.constant 2 : i32
        %parallel_loop3A_553 = arith.addi %parallel_loop3A_446, %parallel_loop3A_552 : i32
        %parallel_loop3A_554 = arith.constant 1 : i32
        %parallel_loop3A_555 = arith.index_cast %parallel_loop3A_554 : i32 to index
        %parallel_loop3A_556 = arith.index_cast %parallel_loop3A_553 : i32 to index
        %parallel_loop3A_557 = arith.constant 16 : index
        %parallel_loop3A_558 = tpu.vector_load %arg6[%parallel_loop3A_555, %parallel_loop3A_556, %parallel_loop3A_557] {strides = array<i32>} : memref<2x128x128xf32, #tpu.memory_space<vmem>>, vector<16xf32>,
        tpu.vector_store %arg6[%parallel_loop3A_555, %parallel_loop3A_556, %parallel_loop3A_557], %parallel_loop3A_551 {strides = array<i32>} : memref<2x128x128xf32, #tpu.memory_space<vmem>>, vector<16xf32>,
        %parallel_loop3A_559 = arith.addf %parallel_loop3A_444, %parallel_loop3A_534 : vector<16xf32>
        %parallel_loop3A_560 = arith.constant 3 : i32
        %parallel_loop3A_561 = arith.addi %parallel_loop3A_446, %parallel_loop3A_560 : i32
        %parallel_loop3A_562 = arith.constant 1 : i32
        %parallel_loop3A_563 = arith.index_cast %parallel_loop3A_562 : i32 to index
        %parallel_loop3A_564 = arith.index_cast %parallel_loop3A_561 : i32 to index
        %parallel_loop3A_565 = arith.constant 16 : index
        %parallel_loop3A_566 = tpu.vector_load %arg6[%parallel_loop3A_563, %parallel_loop3A_564, %parallel_loop3A_565] {strides = array<i32>} : memref<2x128x128xf32, #tpu.memory_space<vmem>>, vector<16xf32>,
        tpu.vector_store %arg6[%parallel_loop3A_563, %parallel_loop3A_564, %parallel_loop3A_565], %parallel_loop3A_559 {strides = array<i32>} : memref<2x128x128xf32, #tpu.memory_space<vmem>>, vector<16xf32>,
        %parallel_loop3A_567 = arith.constant 1 : i32
        %parallel_loop3A_568 = arith.constant 0 : i32
        %parallel_loop3A_569 = arith.index_cast %parallel_loop3A_567 : i32 to index
        %parallel_loop3A_570 = arith.index_cast %parallel_loop3A_568 : i32 to index
        %parallel_loop3A_571 = arith.index_cast %parallel_loop3A_435 : i32 to index
        %parallel_loop3A_572 = arith.constant 32 : index
        %parallel_loop3A_573 = tpu.vector_load %arg5[%parallel_loop3A_569, %parallel_loop3A_570, %parallel_loop3A_571, %parallel_loop3A_572] {strides = array<i32>} : memref<2x4x32x128xf32, #tpu.memory_space<vmem>>, vector<16xf32>,
        %parallel_loop3A_574 = arith.constant 1 : i32
        %parallel_loop3A_575 = arith.constant 1 : i32
        %parallel_loop3A_576 = arith.index_cast %parallel_loop3A_574 : i32 to index
        %parallel_loop3A_577 = arith.index_cast %parallel_loop3A_575 : i32 to index
        %parallel_loop3A_578 = arith.index_cast %parallel_loop3A_435 : i32 to index
        %parallel_loop3A_579 = arith.constant 32 : index
        %parallel_loop3A_580 = tpu.vector_load %arg5[%parallel_loop3A_576, %parallel_loop3A_577, %parallel_loop3A_578, %parallel_loop3A_579] {strides = array<i32>} : memref<2x4x32x128xf32, #tpu.memory_space<vmem>>, vector<16xf32>,
        %parallel_loop3A_581 = arith.constant 1 : i32
        %parallel_loop3A_582 = arith.constant 2 : i32
        %parallel_loop3A_583 = arith.index_cast %parallel_loop3A_581 : i32 to index
        %parallel_loop3A_584 = arith.index_cast %parallel_loop3A_582 : i32 to index
        %parallel_loop3A_585 = arith.index_cast %parallel_loop3A_435 : i32 to index
        %parallel_loop3A_586 = arith.constant 32 : index
        %parallel_loop3A_587 = tpu.vector_load %arg5[%parallel_loop3A_583, %parallel_loop3A_584, %parallel_loop3A_585, %parallel_loop3A_586] {strides = array<i32>} : memref<2x4x32x128xf32, #tpu.memory_space<vmem>>, vector<16xf32>,
        %parallel_loop3A_588 = arith.constant 1 : i32
        %parallel_loop3A_589 = arith.constant 3 : i32
        %parallel_loop3A_590 = arith.index_cast %parallel_loop3A_588 : i32 to index
        %parallel_loop3A_591 = arith.index_cast %parallel_loop3A_589 : i32 to index
        %parallel_loop3A_592 = arith.index_cast %parallel_loop3A_435 : i32 to index
        %parallel_loop3A_593 = arith.constant 32 : index
        %parallel_loop3A_594 = tpu.vector_load %arg5[%parallel_loop3A_590, %parallel_loop3A_591, %parallel_loop3A_592, %parallel_loop3A_593] {strides = array<i32>} : memref<2x4x32x128xf32, #tpu.memory_space<vmem>>, vector<16xf32>,
        %parallel_loop3A_595 = arith.subf %mul3A_361, %parallel_loop3A_573 : vector<16xf32>
        %parallel_loop3A_596 = arith.constant 0 : i32
        %parallel_loop3A_597 = arith.addi %parallel_loop3A_446, %parallel_loop3A_596 : i32
        %parallel_loop3A_598 = arith.constant 1 : i32
        %parallel_loop3A_599 = arith.index_cast %parallel_loop3A_598 : i32 to index
        %parallel_loop3A_600 = arith.index_cast %parallel_loop3A_597 : i32 to index
        %parallel_loop3A_601 = arith.constant 32 : index
        %parallel_loop3A_602 = tpu.vector_load %arg6[%parallel_loop3A_599, %parallel_loop3A_600, %parallel_loop3A_601] {strides = array<i32>} : memref<2x128x128xf32, #tpu.memory_space<vmem>>, vector<16xf32>,
        tpu.vector_store %arg6[%parallel_loop3A_599, %parallel_loop3A_600, %parallel_loop3A_601], %parallel_loop3A_595 {strides = array<i32>} : memref<2x128x128xf32, #tpu.memory_space<vmem>>, vector<16xf32>,
        %parallel_loop3A_603 = arith.subf %parallel_loop3A_444, %parallel_loop3A_580 : vector<16xf32>
        %parallel_loop3A_604 = arith.constant 1 : i32
        %parallel_loop3A_605 = arith.addi %parallel_loop3A_446, %parallel_loop3A_604 : i32
        %parallel_loop3A_606 = arith.constant 1 : i32
        %parallel_loop3A_607 = arith.index_cast %parallel_loop3A_606 : i32 to index
        %parallel_loop3A_608 = arith.index_cast %parallel_loop3A_605 : i32 to index
        %parallel_loop3A_609 = arith.constant 32 : index
        %parallel_loop3A_610 = tpu.vector_load %arg6[%parallel_loop3A_607, %parallel_loop3A_608, %parallel_loop3A_609] {strides = array<i32>} : memref<2x128x128xf32, #tpu.memory_space<vmem>>, vector<16xf32>,
        tpu.vector_store %arg6[%parallel_loop3A_607, %parallel_loop3A_608, %parallel_loop3A_609], %parallel_loop3A_603 {strides = array<i32>} : memref<2x128x128xf32, #tpu.memory_space<vmem>>, vector<16xf32>,
        %parallel_loop3A_611 = arith.addf %mul3A_361, %parallel_loop3A_587 : vector<16xf32>
        %parallel_loop3A_612 = arith.constant 2 : i32
        %parallel_loop3A_613 = arith.addi %parallel_loop3A_446, %parallel_loop3A_612 : i32
        %parallel_loop3A_614 = arith.constant 1 : i32
        %parallel_loop3A_615 = arith.index_cast %parallel_loop3A_614 : i32 to index
        %parallel_loop3A_616 = arith.index_cast %parallel_loop3A_613 : i32 to index
        %parallel_loop3A_617 = arith.constant 32 : index
        %parallel_loop3A_618 = tpu.vector_load %arg6[%parallel_loop3A_615, %parallel_loop3A_616, %parallel_loop3A_617] {strides = array<i32>} : memref<2x128x128xf32, #tpu.memory_space<vmem>>, vector<16xf32>,
        tpu.vector_store %arg6[%parallel_loop3A_615, %parallel_loop3A_616, %parallel_loop3A_617], %parallel_loop3A_611 {strides = array<i32>} : memref<2x128x128xf32, #tpu.memory_space<vmem>>, vector<16xf32>,
        %parallel_loop3A_619 = arith.addf %parallel_loop3A_444, %parallel_loop3A_594 : vector<16xf32>
        %parallel_loop3A_620 = arith.constant 3 : i32
        %parallel_loop3A_621 = arith.addi %parallel_loop3A_446, %parallel_loop3A_620 : i32
        %parallel_loop3A_622 = arith.constant 1 : i32
        %parallel_loop3A_623 = arith.index_cast %parallel_loop3A_622 : i32 to index
        %parallel_loop3A_624 = arith.index_cast %parallel_loop3A_621 : i32 to index
        %parallel_loop3A_625 = arith.constant 32 : index
        %parallel_loop3A_626 = tpu.vector_load %arg6[%parallel_loop3A_623, %parallel_loop3A_624, %parallel_loop3A_625] {strides = array<i32>} : memref<2x128x128xf32, #tpu.memory_space<vmem>>, vector<16xf32>,
        tpu.vector_store %arg6[%parallel_loop3A_623, %parallel_loop3A_624, %parallel_loop3A_625], %parallel_loop3A_619 {strides = array<i32>} : memref<2x128x128xf32, #tpu.memory_space<vmem>>, vector<16xf32>,
        %parallel_loop3A_627 = arith.constant 1 : i32
        %parallel_loop3A_628 = arith.constant 0 : i32
        %parallel_loop3A_629 = arith.index_cast %parallel_loop3A_627 : i32 to index
        %parallel_loop3A_630 = arith.index_cast %parallel_loop3A_628 : i32 to index
        %parallel_loop3A_631 = arith.index_cast %parallel_loop3A_435 : i32 to index
        %parallel_loop3A_632 = arith.constant 48 : index
        %parallel_loop3A_633 = tpu.vector_load %arg5[%parallel_loop3A_629, %parallel_loop3A_630, %parallel_loop3A_631, %parallel_loop3A_632] {strides = array<i32>} : memref<2x4x32x128xf32, #tpu.memory_space<vmem>>, vector<16xf32>,
        %parallel_loop3A_634 = arith.constant 1 : i32
        %parallel_loop3A_635 = arith.constant 1 : i32
        %parallel_loop3A_636 = arith.index_cast %parallel_loop3A_634 : i32 to index
        %parallel_loop3A_637 = arith.index_cast %parallel_loop3A_635 : i32 to index
        %parallel_loop3A_638 = arith.index_cast %parallel_loop3A_435 : i32 to index
        %parallel_loop3A_639 = arith.constant 48 : index
        %parallel_loop3A_640 = tpu.vector_load %arg5[%parallel_loop3A_636, %parallel_loop3A_637, %parallel_loop3A_638, %parallel_loop3A_639] {strides = array<i32>} : memref<2x4x32x128xf32, #tpu.memory_space<vmem>>, vector<16xf32>,
        %parallel_loop3A_641 = arith.constant 1 : i32
        %parallel_loop3A_642 = arith.constant 2 : i32
        %parallel_loop3A_643 = arith.index_cast %parallel_loop3A_641 : i32 to index
        %parallel_loop3A_644 = arith.index_cast %parallel_loop3A_642 : i32 to index
        %parallel_loop3A_645 = arith.index_cast %parallel_loop3A_435 : i32 to index
        %parallel_loop3A_646 = arith.constant 48 : index
        %parallel_loop3A_647 = tpu.vector_load %arg5[%parallel_loop3A_643, %parallel_loop3A_644, %parallel_loop3A_645, %parallel_loop3A_646] {strides = array<i32>} : memref<2x4x32x128xf32, #tpu.memory_space<vmem>>, vector<16xf32>,
        %parallel_loop3A_648 = arith.constant 1 : i32
        %parallel_loop3A_649 = arith.constant 3 : i32
        %parallel_loop3A_650 = arith.index_cast %parallel_loop3A_648 : i32 to index
        %parallel_loop3A_651 = arith.index_cast %parallel_loop3A_649 : i32 to index
        %parallel_loop3A_652 = arith.index_cast %parallel_loop3A_435 : i32 to index
        %parallel_loop3A_653 = arith.constant 48 : index
        %parallel_loop3A_654 = tpu.vector_load %arg5[%parallel_loop3A_650, %parallel_loop3A_651, %parallel_loop3A_652, %parallel_loop3A_653] {strides = array<i32>} : memref<2x4x32x128xf32, #tpu.memory_space<vmem>>, vector<16xf32>,
        %parallel_loop3A_655 = arith.subf %mul3A_362, %parallel_loop3A_633 : vector<16xf32>
        %parallel_loop3A_656 = arith.constant 0 : i32
        %parallel_loop3A_657 = arith.addi %parallel_loop3A_446, %parallel_loop3A_656 : i32
        %parallel_loop3A_658 = arith.constant 1 : i32
        %parallel_loop3A_659 = arith.index_cast %parallel_loop3A_658 : i32 to index
        %parallel_loop3A_660 = arith.index_cast %parallel_loop3A_657 : i32 to index
        %parallel_loop3A_661 = arith.constant 48 : index
        %parallel_loop3A_662 = tpu.vector_load %arg6[%parallel_loop3A_659, %parallel_loop3A_660, %parallel_loop3A_661] {strides = array<i32>} : memref<2x128x128xf32, #tpu.memory_space<vmem>>, vector<16xf32>,
        tpu.vector_store %arg6[%parallel_loop3A_659, %parallel_loop3A_660, %parallel_loop3A_661], %parallel_loop3A_655 {strides = array<i32>} : memref<2x128x128xf32, #tpu.memory_space<vmem>>, vector<16xf32>,
        %parallel_loop3A_663 = arith.subf %parallel_loop3A_444, %parallel_loop3A_640 : vector<16xf32>
        %parallel_loop3A_664 = arith.constant 1 : i32
        %parallel_loop3A_665 = arith.addi %parallel_loop3A_446, %parallel_loop3A_664 : i32
        %parallel_loop3A_666 = arith.constant 1 : i32
        %parallel_loop3A_667 = arith.index_cast %parallel_loop3A_666 : i32 to index
        %parallel_loop3A_668 = arith.index_cast %parallel_loop3A_665 : i32 to index
        %parallel_loop3A_669 = arith.constant 48 : index
        %parallel_loop3A_670 = tpu.vector_load %arg6[%parallel_loop3A_667, %parallel_loop3A_668, %parallel_loop3A_669] {strides = array<i32>} : memref<2x128x128xf32, #tpu.memory_space<vmem>>, vector<16xf32>,
        tpu.vector_store %arg6[%parallel_loop3A_667, %parallel_loop3A_668, %parallel_loop3A_669], %parallel_loop3A_663 {strides = array<i32>} : memref<2x128x128xf32, #tpu.memory_space<vmem>>, vector<16xf32>,
        %parallel_loop3A_671 = arith.addf %mul3A_362, %parallel_loop3A_647 : vector<16xf32>
        %parallel_loop3A_672 = arith.constant 2 : i32
        %parallel_loop3A_673 = arith.addi %parallel_loop3A_446, %parallel_loop3A_672 : i32
        %parallel_loop3A_674 = arith.constant 1 : i32
        %parallel_loop3A_675 = arith.index_cast %parallel_loop3A_674 : i32 to index
        %parallel_loop3A_676 = arith.index_cast %parallel_loop3A_673 : i32 to index
        %parallel_loop3A_677 = arith.constant 48 : index
        %parallel_loop3A_678 = tpu.vector_load %arg6[%parallel_loop3A_675, %parallel_loop3A_676, %parallel_loop3A_677] {strides = array<i32>} : memref<2x128x128xf32, #tpu.memory_space<vmem>>, vector<16xf32>,
        tpu.vector_store %arg6[%parallel_loop3A_675, %parallel_loop3A_676, %parallel_loop3A_677], %parallel_loop3A_671 {strides = array<i32>} : memref<2x128x128xf32, #tpu.memory_space<vmem>>, vector<16xf32>,
        %parallel_loop3A_679 = arith.addf %parallel_loop3A_444, %parallel_loop3A_654 : vector<16xf32>
        %parallel_loop3A_680 = arith.constant 3 : i32
        %parallel_loop3A_681 = arith.addi %parallel_loop3A_446, %parallel_loop3A_680 : i32
        %parallel_loop3A_682 = arith.constant 1 : i32
        %parallel_loop3A_683 = arith.index_cast %parallel_loop3A_682 : i32 to index
        %parallel_loop3A_684 = arith.index_cast %parallel_loop3A_681 : i32 to index
        %parallel_loop3A_685 = arith.constant 48 : index
        %parallel_loop3A_686 = tpu.vector_load %arg6[%parallel_loop3A_683, %parallel_loop3A_684, %parallel_loop3A_685] {strides = array<i32>} : memref<2x128x128xf32, #tpu.memory_space<vmem>>, vector<16xf32>,
        tpu.vector_store %arg6[%parallel_loop3A_683, %parallel_loop3A_684, %parallel_loop3A_685], %parallel_loop3A_679 {strides = array<i32>} : memref<2x128x128xf32, #tpu.memory_space<vmem>>, vector<16xf32>,
        %parallel_loop3A_687 = arith.constant 1 : i32
        %parallel_loop3A_688 = arith.constant 0 : i32
        %parallel_loop3A_689 = arith.index_cast %parallel_loop3A_687 : i32 to index
        %parallel_loop3A_690 = arith.index_cast %parallel_loop3A_688 : i32 to index
        %parallel_loop3A_691 = arith.index_cast %parallel_loop3A_435 : i32 to index
        %parallel_loop3A_692 = arith.constant 64 : index
        %parallel_loop3A_693 = tpu.vector_load %arg5[%parallel_loop3A_689, %parallel_loop3A_690, %parallel_loop3A_691, %parallel_loop3A_692] {strides = array<i32>} : memref<2x4x32x128xf32, #tpu.memory_space<vmem>>, vector<16xf32>,
        %parallel_loop3A_694 = arith.constant 1 : i32
        %parallel_loop3A_695 = arith.constant 1 : i32
        %parallel_loop3A_696 = arith.index_cast %parallel_loop3A_694 : i32 to index
        %parallel_loop3A_697 = arith.index_cast %parallel_loop3A_695 : i32 to index
        %parallel_loop3A_698 = arith.index_cast %parallel_loop3A_435 : i32 to index
        %parallel_loop3A_699 = arith.constant 64 : index
        %parallel_loop3A_700 = tpu.vector_load %arg5[%parallel_loop3A_696, %parallel_loop3A_697, %parallel_loop3A_698, %parallel_loop3A_699] {strides = array<i32>} : memref<2x4x32x128xf32, #tpu.memory_space<vmem>>, vector<16xf32>,
        %parallel_loop3A_701 = arith.constant 1 : i32
        %parallel_loop3A_702 = arith.constant 2 : i32
        %parallel_loop3A_703 = arith.index_cast %parallel_loop3A_701 : i32 to index
        %parallel_loop3A_704 = arith.index_cast %parallel_loop3A_702 : i32 to index
        %parallel_loop3A_705 = arith.index_cast %parallel_loop3A_435 : i32 to index
        %parallel_loop3A_706 = arith.constant 64 : index
        %parallel_loop3A_707 = tpu.vector_load %arg5[%parallel_loop3A_703, %parallel_loop3A_704, %parallel_loop3A_705, %parallel_loop3A_706] {strides = array<i32>} : memref<2x4x32x128xf32, #tpu.memory_space<vmem>>, vector<16xf32>,
        %parallel_loop3A_708 = arith.constant 1 : i32
        %parallel_loop3A_709 = arith.constant 3 : i32
        %parallel_loop3A_710 = arith.index_cast %parallel_loop3A_708 : i32 to index
        %parallel_loop3A_711 = arith.index_cast %parallel_loop3A_709 : i32 to index
        %parallel_loop3A_712 = arith.index_cast %parallel_loop3A_435 : i32 to index
        %parallel_loop3A_713 = arith.constant 64 : index
        %parallel_loop3A_714 = tpu.vector_load %arg5[%parallel_loop3A_710, %parallel_loop3A_711, %parallel_loop3A_712, %parallel_loop3A_713] {strides = array<i32>} : memref<2x4x32x128xf32, #tpu.memory_space<vmem>>, vector<16xf32>,
        %parallel_loop3A_715 = arith.subf %mul3A_363, %parallel_loop3A_693 : vector<16xf32>
        %parallel_loop3A_716 = arith.constant 0 : i32
        %parallel_loop3A_717 = arith.addi %parallel_loop3A_446, %parallel_loop3A_716 : i32
        %parallel_loop3A_718 = arith.constant 1 : i32
        %parallel_loop3A_719 = arith.index_cast %parallel_loop3A_718 : i32 to index
        %parallel_loop3A_720 = arith.index_cast %parallel_loop3A_717 : i32 to index
        %parallel_loop3A_721 = arith.constant 64 : index
        %parallel_loop3A_722 = tpu.vector_load %arg6[%parallel_loop3A_719, %parallel_loop3A_720, %parallel_loop3A_721] {strides = array<i32>} : memref<2x128x128xf32, #tpu.memory_space<vmem>>, vector<16xf32>,
        tpu.vector_store %arg6[%parallel_loop3A_719, %parallel_loop3A_720, %parallel_loop3A_721], %parallel_loop3A_715 {strides = array<i32>} : memref<2x128x128xf32, #tpu.memory_space<vmem>>, vector<16xf32>,
        %parallel_loop3A_723 = arith.subf %parallel_loop3A_444, %parallel_loop3A_700 : vector<16xf32>
        %parallel_loop3A_724 = arith.constant 1 : i32
        %parallel_loop3A_725 = arith.addi %parallel_loop3A_446, %parallel_loop3A_724 : i32
        %parallel_loop3A_726 = arith.constant 1 : i32
        %parallel_loop3A_727 = arith.index_cast %parallel_loop3A_726 : i32 to index
        %parallel_loop3A_728 = arith.index_cast %parallel_loop3A_725 : i32 to index
        %parallel_loop3A_729 = arith.constant 64 : index
        %parallel_loop3A_730 = tpu.vector_load %arg6[%parallel_loop3A_727, %parallel_loop3A_728, %parallel_loop3A_729] {strides = array<i32>} : memref<2x128x128xf32, #tpu.memory_space<vmem>>, vector<16xf32>,
        tpu.vector_store %arg6[%parallel_loop3A_727, %parallel_loop3A_728, %parallel_loop3A_729], %parallel_loop3A_723 {strides = array<i32>} : memref<2x128x128xf32, #tpu.memory_space<vmem>>, vector<16xf32>,
        %parallel_loop3A_731 = arith.addf %mul3A_363, %parallel_loop3A_707 : vector<16xf32>
        %parallel_loop3A_732 = arith.constant 2 : i32
        %parallel_loop3A_733 = arith.addi %parallel_loop3A_446, %parallel_loop3A_732 : i32
        %parallel_loop3A_734 = arith.constant 1 : i32
        %parallel_loop3A_735 = arith.index_cast %parallel_loop3A_734 : i32 to index
        %parallel_loop3A_736 = arith.index_cast %parallel_loop3A_733 : i32 to index
        %parallel_loop3A_737 = arith.constant 64 : index
        %parallel_loop3A_738 = tpu.vector_load %arg6[%parallel_loop3A_735, %parallel_loop3A_736, %parallel_loop3A_737] {strides = array<i32>} : memref<2x128x128xf32, #tpu.memory_space<vmem>>, vector<16xf32>,
        tpu.vector_store %arg6[%parallel_loop3A_735, %parallel_loop3A_736, %parallel_loop3A_737], %parallel_loop3A_731 {strides = array<i32>} : memref<2x128x128xf32, #tpu.memory_space<vmem>>, vector<16xf32>,
        %parallel_loop3A_739 = arith.addf %parallel_loop3A_444, %parallel_loop3A_714 : vector<16xf32>
        %parallel_loop3A_740 = arith.constant 3 : i32
        %parallel_loop3A_741 = arith.addi %parallel_loop3A_446, %parallel_loop3A_740 : i32
        %parallel_loop3A_742 = arith.constant 1 : i32
        %parallel_loop3A_743 = arith.index_cast %parallel_loop3A_742 : i32 to index
        %parallel_loop3A_744 = arith.index_cast %parallel_loop3A_741 : i32 to index
        %parallel_loop3A_745 = arith.constant 64 : index
        %parallel_loop3A_746 = tpu.vector_load %arg6[%parallel_loop3A_743, %parallel_loop3A_744, %parallel_loop3A_745] {strides = array<i32>} : memref<2x128x128xf32, #tpu.memory_space<vmem>>, vector<16xf32>,
        tpu.vector_store %arg6[%parallel_loop3A_743, %parallel_loop3A_744, %parallel_loop3A_745], %parallel_loop3A_739 {strides = array<i32>} : memref<2x128x128xf32, #tpu.memory_space<vmem>>, vector<16xf32>,
        %parallel_loop3A_747 = arith.constant 1 : i32
        %parallel_loop3A_748 = arith.constant 0 : i32
        %parallel_loop3A_749 = arith.index_cast %parallel_loop3A_747 : i32 to index
        %parallel_loop3A_750 = arith.index_cast %parallel_loop3A_748 : i32 to index
        %parallel_loop3A_751 = arith.index_cast %parallel_loop3A_435 : i32 to index
        %parallel_loop3A_752 = arith.constant 80 : index
        %parallel_loop3A_753 = tpu.vector_load %arg5[%parallel_loop3A_749, %parallel_loop3A_750, %parallel_loop3A_751, %parallel_loop3A_752] {strides = array<i32>} : memref<2x4x32x128xf32, #tpu.memory_space<vmem>>, vector<16xf32>,
        %parallel_loop3A_754 = arith.constant 1 : i32
        %parallel_loop3A_755 = arith.constant 1 : i32
        %parallel_loop3A_756 = arith.index_cast %parallel_loop3A_754 : i32 to index
        %parallel_loop3A_757 = arith.index_cast %parallel_loop3A_755 : i32 to index
        %parallel_loop3A_758 = arith.index_cast %parallel_loop3A_435 : i32 to index
        %parallel_loop3A_759 = arith.constant 80 : index
        %parallel_loop3A_760 = tpu.vector_load %arg5[%parallel_loop3A_756, %parallel_loop3A_757, %parallel_loop3A_758, %parallel_loop3A_759] {strides = array<i32>} : memref<2x4x32x128xf32, #tpu.memory_space<vmem>>, vector<16xf32>,
        %parallel_loop3A_761 = arith.constant 1 : i32
        %parallel_loop3A_762 = arith.constant 2 : i32
        %parallel_loop3A_763 = arith.index_cast %parallel_loop3A_761 : i32 to index
        %parallel_loop3A_764 = arith.index_cast %parallel_loop3A_762 : i32 to index
        %parallel_loop3A_765 = arith.index_cast %parallel_loop3A_435 : i32 to index
        %parallel_loop3A_766 = arith.constant 80 : index
        %parallel_loop3A_767 = tpu.vector_load %arg5[%parallel_loop3A_763, %parallel_loop3A_764, %parallel_loop3A_765, %parallel_loop3A_766] {strides = array<i32>} : memref<2x4x32x128xf32, #tpu.memory_space<vmem>>, vector<16xf32>,
        %parallel_loop3A_768 = arith.constant 1 : i32
        %parallel_loop3A_769 = arith.constant 3 : i32
        %parallel_loop3A_770 = arith.index_cast %parallel_loop3A_768 : i32 to index
        %parallel_loop3A_771 = arith.index_cast %parallel_loop3A_769 : i32 to index
        %parallel_loop3A_772 = arith.index_cast %parallel_loop3A_435 : i32 to index
        %parallel_loop3A_773 = arith.constant 80 : index
        %parallel_loop3A_774 = tpu.vector_load %arg5[%parallel_loop3A_770, %parallel_loop3A_771, %parallel_loop3A_772, %parallel_loop3A_773] {strides = array<i32>} : memref<2x4x32x128xf32, #tpu.memory_space<vmem>>, vector<16xf32>,
        %parallel_loop3A_775 = arith.subf %mul3A_364, %parallel_loop3A_753 : vector<16xf32>
        %parallel_loop3A_776 = arith.constant 0 : i32
        %parallel_loop3A_777 = arith.addi %parallel_loop3A_446, %parallel_loop3A_776 : i32
        %parallel_loop3A_778 = arith.constant 1 : i32
        %parallel_loop3A_779 = arith.index_cast %parallel_loop3A_778 : i32 to index
        %parallel_loop3A_780 = arith.index_cast %parallel_loop3A_777 : i32 to index
        %parallel_loop3A_781 = arith.constant 80 : index
        %parallel_loop3A_782 = tpu.vector_load %arg6[%parallel_loop3A_779, %parallel_loop3A_780, %parallel_loop3A_781] {strides = array<i32>} : memref<2x128x128xf32, #tpu.memory_space<vmem>>, vector<16xf32>,
        tpu.vector_store %arg6[%parallel_loop3A_779, %parallel_loop3A_780, %parallel_loop3A_781], %parallel_loop3A_775 {strides = array<i32>} : memref<2x128x128xf32, #tpu.memory_space<vmem>>, vector<16xf32>,
        %parallel_loop3A_783 = arith.subf %parallel_loop3A_444, %parallel_loop3A_760 : vector<16xf32>
        %parallel_loop3A_784 = arith.constant 1 : i32
        %parallel_loop3A_785 = arith.addi %parallel_loop3A_446, %parallel_loop3A_784 : i32
        %parallel_loop3A_786 = arith.constant 1 : i32
        %parallel_loop3A_787 = arith.index_cast %parallel_loop3A_786 : i32 to index
        %parallel_loop3A_788 = arith.index_cast %parallel_loop3A_785 : i32 to index
        %parallel_loop3A_789 = arith.constant 80 : index
        %parallel_loop3A_790 = tpu.vector_load %arg6[%parallel_loop3A_787, %parallel_loop3A_788, %parallel_loop3A_789] {strides = array<i32>} : memref<2x128x128xf32, #tpu.memory_space<vmem>>, vector<16xf32>,
        tpu.vector_store %arg6[%parallel_loop3A_787, %parallel_loop3A_788, %parallel_loop3A_789], %parallel_loop3A_783 {strides = array<i32>} : memref<2x128x128xf32, #tpu.memory_space<vmem>>, vector<16xf32>,
        %parallel_loop3A_791 = arith.addf %mul3A_364, %parallel_loop3A_767 : vector<16xf32>
        %parallel_loop3A_792 = arith.constant 2 : i32
        %parallel_loop3A_793 = arith.addi %parallel_loop3A_446, %parallel_loop3A_792 : i32
        %parallel_loop3A_794 = arith.constant 1 : i32
        %parallel_loop3A_795 = arith.index_cast %parallel_loop3A_794 : i32 to index
        %parallel_loop3A_796 = arith.index_cast %parallel_loop3A_793 : i32 to index
        %parallel_loop3A_797 = arith.constant 80 : index
        %parallel_loop3A_798 = tpu.vector_load %arg6[%parallel_loop3A_795, %parallel_loop3A_796, %parallel_loop3A_797] {strides = array<i32>} : memref<2x128x128xf32, #tpu.memory_space<vmem>>, vector<16xf32>,
        tpu.vector_store %arg6[%parallel_loop3A_795, %parallel_loop3A_796, %parallel_loop3A_797], %parallel_loop3A_791 {strides = array<i32>} : memref<2x128x128xf32, #tpu.memory_space<vmem>>, vector<16xf32>,
        %parallel_loop3A_799 = arith.addf %parallel_loop3A_444, %parallel_loop3A_774 : vector<16xf32>
        %parallel_loop3A_800 = arith.constant 3 : i32
        %parallel_loop3A_801 = arith.addi %parallel_loop3A_446, %parallel_loop3A_800 : i32
        %parallel_loop3A_802 = arith.constant 1 : i32
        %parallel_loop3A_803 = arith.index_cast %parallel_loop3A_802 : i32 to index
        %parallel_loop3A_804 = arith.index_cast %parallel_loop3A_801 : i32 to index
        %parallel_loop3A_805 = arith.constant 80 : index
        %parallel_loop3A_806 = tpu.vector_load %arg6[%parallel_loop3A_803, %parallel_loop3A_804, %parallel_loop3A_805] {strides = array<i32>} : memref<2x128x128xf32, #tpu.memory_space<vmem>>, vector<16xf32>,
        tpu.vector_store %arg6[%parallel_loop3A_803, %parallel_loop3A_804, %parallel_loop3A_805], %parallel_loop3A_799 {strides = array<i32>} : memref<2x128x128xf32, #tpu.memory_space<vmem>>, vector<16xf32>,
        %parallel_loop3A_807 = arith.constant 1 : i32
        %parallel_loop3A_808 = arith.constant 0 : i32
        %parallel_loop3A_809 = arith.index_cast %parallel_loop3A_807 : i32 to index
        %parallel_loop3A_810 = arith.index_cast %parallel_loop3A_808 : i32 to index
        %parallel_loop3A_811 = arith.index_cast %parallel_loop3A_435 : i32 to index
        %parallel_loop3A_812 = arith.constant 96 : index
        %parallel_loop3A_813 = tpu.vector_load %arg5[%parallel_loop3A_809, %parallel_loop3A_810, %parallel_loop3A_811, %parallel_loop3A_812] {strides = array<i32>} : memref<2x4x32x128xf32, #tpu.memory_space<vmem>>, vector<16xf32>,
        %parallel_loop3A_814 = arith.constant 1 : i32
        %parallel_loop3A_815 = arith.constant 1 : i32
        %parallel_loop3A_816 = arith.index_cast %parallel_loop3A_814 : i32 to index
        %parallel_loop3A_817 = arith.index_cast %parallel_loop3A_815 : i32 to index
        %parallel_loop3A_818 = arith.index_cast %parallel_loop3A_435 : i32 to index
        %parallel_loop3A_819 = arith.constant 96 : index
        %parallel_loop3A_820 = tpu.vector_load %arg5[%parallel_loop3A_816, %parallel_loop3A_817, %parallel_loop3A_818, %parallel_loop3A_819] {strides = array<i32>} : memref<2x4x32x128xf32, #tpu.memory_space<vmem>>, vector<16xf32>,
        %parallel_loop3A_821 = arith.constant 1 : i32
        %parallel_loop3A_822 = arith.constant 2 : i32
        %parallel_loop3A_823 = arith.index_cast %parallel_loop3A_821 : i32 to index
        %parallel_loop3A_824 = arith.index_cast %parallel_loop3A_822 : i32 to index
        %parallel_loop3A_825 = arith.index_cast %parallel_loop3A_435 : i32 to index
        %parallel_loop3A_826 = arith.constant 96 : index
        %parallel_loop3A_827 = tpu.vector_load %arg5[%parallel_loop3A_823, %parallel_loop3A_824, %parallel_loop3A_825, %parallel_loop3A_826] {strides = array<i32>} : memref<2x4x32x128xf32, #tpu.memory_space<vmem>>, vector<16xf32>,
        %parallel_loop3A_828 = arith.constant 1 : i32
        %parallel_loop3A_829 = arith.constant 3 : i32
        %parallel_loop3A_830 = arith.index_cast %parallel_loop3A_828 : i32 to index
        %parallel_loop3A_831 = arith.index_cast %parallel_loop3A_829 : i32 to index
        %parallel_loop3A_832 = arith.index_cast %parallel_loop3A_435 : i32 to index
        %parallel_loop3A_833 = arith.constant 96 : index
        %parallel_loop3A_834 = tpu.vector_load %arg5[%parallel_loop3A_830, %parallel_loop3A_831, %parallel_loop3A_832, %parallel_loop3A_833] {strides = array<i32>} : memref<2x4x32x128xf32, #tpu.memory_space<vmem>>, vector<16xf32>,
        %parallel_loop3A_835 = arith.subf %mul3A_365, %parallel_loop3A_813 : vector<16xf32>
        %parallel_loop3A_836 = arith.constant 0 : i32
        %parallel_loop3A_837 = arith.addi %parallel_loop3A_446, %parallel_loop3A_836 : i32
        %parallel_loop3A_838 = arith.constant 1 : i32
        %parallel_loop3A_839 = arith.index_cast %parallel_loop3A_838 : i32 to index
        %parallel_loop3A_840 = arith.index_cast %parallel_loop3A_837 : i32 to index
        %parallel_loop3A_841 = arith.constant 96 : index
        %parallel_loop3A_842 = tpu.vector_load %arg6[%parallel_loop3A_839, %parallel_loop3A_840, %parallel_loop3A_841] {strides = array<i32>} : memref<2x128x128xf32, #tpu.memory_space<vmem>>, vector<16xf32>,
        tpu.vector_store %arg6[%parallel_loop3A_839, %parallel_loop3A_840, %parallel_loop3A_841], %parallel_loop3A_835 {strides = array<i32>} : memref<2x128x128xf32, #tpu.memory_space<vmem>>, vector<16xf32>,
        %parallel_loop3A_843 = arith.subf %parallel_loop3A_444, %parallel_loop3A_820 : vector<16xf32>
        %parallel_loop3A_844 = arith.constant 1 : i32
        %parallel_loop3A_845 = arith.addi %parallel_loop3A_446, %parallel_loop3A_844 : i32
        %parallel_loop3A_846 = arith.constant 1 : i32
        %parallel_loop3A_847 = arith.index_cast %parallel_loop3A_846 : i32 to index
        %parallel_loop3A_848 = arith.index_cast %parallel_loop3A_845 : i32 to index
        %parallel_loop3A_849 = arith.constant 96 : index
        %parallel_loop3A_850 = tpu.vector_load %arg6[%parallel_loop3A_847, %parallel_loop3A_848, %parallel_loop3A_849] {strides = array<i32>} : memref<2x128x128xf32, #tpu.memory_space<vmem>>, vector<16xf32>,
        tpu.vector_store %arg6[%parallel_loop3A_847, %parallel_loop3A_848, %parallel_loop3A_849], %parallel_loop3A_843 {strides = array<i32>} : memref<2x128x128xf32, #tpu.memory_space<vmem>>, vector<16xf32>,
        %parallel_loop3A_851 = arith.addf %mul3A_365, %parallel_loop3A_827 : vector<16xf32>
        %parallel_loop3A_852 = arith.constant 2 : i32
        %parallel_loop3A_853 = arith.addi %parallel_loop3A_446, %parallel_loop3A_852 : i32
        %parallel_loop3A_854 = arith.constant 1 : i32
        %parallel_loop3A_855 = arith.index_cast %parallel_loop3A_854 : i32 to index
        %parallel_loop3A_856 = arith.index_cast %parallel_loop3A_853 : i32 to index
        %parallel_loop3A_857 = arith.constant 96 : index
        %parallel_loop3A_858 = tpu.vector_load %arg6[%parallel_loop3A_855, %parallel_loop3A_856, %parallel_loop3A_857] {strides = array<i32>} : memref<2x128x128xf32, #tpu.memory_space<vmem>>, vector<16xf32>,
        tpu.vector_store %arg6[%parallel_loop3A_855, %parallel_loop3A_856, %parallel_loop3A_857], %parallel_loop3A_851 {strides = array<i32>} : memref<2x128x128xf32, #tpu.memory_space<vmem>>, vector<16xf32>,
        %parallel_loop3A_859 = arith.addf %parallel_loop3A_444, %parallel_loop3A_834 : vector<16xf32>
        %parallel_loop3A_860 = arith.constant 3 : i32
        %parallel_loop3A_861 = arith.addi %parallel_loop3A_446, %parallel_loop3A_860 : i32
        %parallel_loop3A_862 = arith.constant 1 : i32
        %parallel_loop3A_863 = arith.index_cast %parallel_loop3A_862 : i32 to index
        %parallel_loop3A_864 = arith.index_cast %parallel_loop3A_861 : i32 to index
        %parallel_loop3A_865 = arith.constant 96 : index
        %parallel_loop3A_866 = tpu.vector_load %arg6[%parallel_loop3A_863, %parallel_loop3A_864, %parallel_loop3A_865] {strides = array<i32>} : memref<2x128x128xf32, #tpu.memory_space<vmem>>, vector<16xf32>,
        tpu.vector_store %arg6[%parallel_loop3A_863, %parallel_loop3A_864, %parallel_loop3A_865], %parallel_loop3A_859 {strides = array<i32>} : memref<2x128x128xf32, #tpu.memory_space<vmem>>, vector<16xf32>,
        %parallel_loop3A_867 = arith.constant 1 : i32
        %parallel_loop3A_868 = arith.constant 0 : i32
        %parallel_loop3A_869 = arith.index_cast %parallel_loop3A_867 : i32 to index
        %parallel_loop3A_870 = arith.index_cast %parallel_loop3A_868 : i32 to index
        %parallel_loop3A_871 = arith.index_cast %parallel_loop3A_435 : i32 to index
        %parallel_loop3A_872 = arith.constant 112 : index
        %parallel_loop3A_873 = tpu.vector_load %arg5[%parallel_loop3A_869, %parallel_loop3A_870, %parallel_loop3A_871, %parallel_loop3A_872] {strides = array<i32>} : memref<2x4x32x128xf32, #tpu.memory_space<vmem>>, vector<16xf32>,
        %parallel_loop3A_874 = arith.constant 1 : i32
        %parallel_loop3A_875 = arith.constant 1 : i32
        %parallel_loop3A_876 = arith.index_cast %parallel_loop3A_874 : i32 to index
        %parallel_loop3A_877 = arith.index_cast %parallel_loop3A_875 : i32 to index
        %parallel_loop3A_878 = arith.index_cast %parallel_loop3A_435 : i32 to index
        %parallel_loop3A_879 = arith.constant 112 : index
        %parallel_loop3A_880 = tpu.vector_load %arg5[%parallel_loop3A_876, %parallel_loop3A_877, %parallel_loop3A_878, %parallel_loop3A_879] {strides = array<i32>} : memref<2x4x32x128xf32, #tpu.memory_space<vmem>>, vector<16xf32>,
        %parallel_loop3A_881 = arith.constant 1 : i32
        %parallel_loop3A_882 = arith.constant 2 : i32
        %parallel_loop3A_883 = arith.index_cast %parallel_loop3A_881 : i32 to index
        %parallel_loop3A_884 = arith.index_cast %parallel_loop3A_882 : i32 to index
        %parallel_loop3A_885 = arith.index_cast %parallel_loop3A_435 : i32 to index
        %parallel_loop3A_886 = arith.constant 112 : index
        %parallel_loop3A_887 = tpu.vector_load %arg5[%parallel_loop3A_883, %parallel_loop3A_884, %parallel_loop3A_885, %parallel_loop3A_886] {strides = array<i32>} : memref<2x4x32x128xf32, #tpu.memory_space<vmem>>, vector<16xf32>,
        %parallel_loop3A_888 = arith.constant 1 : i32
        %parallel_loop3A_889 = arith.constant 3 : i32
        %parallel_loop3A_890 = arith.index_cast %parallel_loop3A_888 : i32 to index
        %parallel_loop3A_891 = arith.index_cast %parallel_loop3A_889 : i32 to index
        %parallel_loop3A_892 = arith.index_cast %parallel_loop3A_435 : i32 to index
        %parallel_loop3A_893 = arith.constant 112 : index
        %parallel_loop3A_894 = tpu.vector_load %arg5[%parallel_loop3A_890, %parallel_loop3A_891, %parallel_loop3A_892, %parallel_loop3A_893] {strides = array<i32>} : memref<2x4x32x128xf32, #tpu.memory_space<vmem>>, vector<16xf32>,
        %parallel_loop3A_895 = arith.subf %mul3A_366, %parallel_loop3A_873 : vector<16xf32>
        %parallel_loop3A_896 = arith.constant 0 : i32
        %parallel_loop3A_897 = arith.addi %parallel_loop3A_446, %parallel_loop3A_896 : i32
        %parallel_loop3A_898 = arith.constant 1 : i32
        %parallel_loop3A_899 = arith.index_cast %parallel_loop3A_898 : i32 to index
        %parallel_loop3A_900 = arith.index_cast %parallel_loop3A_897 : i32 to index
        %parallel_loop3A_901 = arith.constant 112 : index
        %parallel_loop3A_902 = tpu.vector_load %arg6[%parallel_loop3A_899, %parallel_loop3A_900, %parallel_loop3A_901] {strides = array<i32>} : memref<2x128x128xf32, #tpu.memory_space<vmem>>, vector<16xf32>,
        tpu.vector_store %arg6[%parallel_loop3A_899, %parallel_loop3A_900, %parallel_loop3A_901], %parallel_loop3A_895 {strides = array<i32>} : memref<2x128x128xf32, #tpu.memory_space<vmem>>, vector<16xf32>,
        %parallel_loop3A_903 = arith.subf %parallel_loop3A_444, %parallel_loop3A_880 : vector<16xf32>
        %parallel_loop3A_904 = arith.constant 1 : i32
        %parallel_loop3A_905 = arith.addi %parallel_loop3A_446, %parallel_loop3A_904 : i32
        %parallel_loop3A_906 = arith.constant 1 : i32
        %parallel_loop3A_907 = arith.index_cast %parallel_loop3A_906 : i32 to index
        %parallel_loop3A_908 = arith.index_cast %parallel_loop3A_905 : i32 to index
        %parallel_loop3A_909 = arith.constant 112 : index
        %parallel_loop3A_910 = tpu.vector_load %arg6[%parallel_loop3A_907, %parallel_loop3A_908, %parallel_loop3A_909] {strides = array<i32>} : memref<2x128x128xf32, #tpu.memory_space<vmem>>, vector<16xf32>,
        tpu.vector_store %arg6[%parallel_loop3A_907, %parallel_loop3A_908, %parallel_loop3A_909], %parallel_loop3A_903 {strides = array<i32>} : memref<2x128x128xf32, #tpu.memory_space<vmem>>, vector<16xf32>,
        %parallel_loop3A_911 = arith.addf %mul3A_366, %parallel_loop3A_887 : vector<16xf32>
        %parallel_loop3A_912 = arith.constant 2 : i32
        %parallel_loop3A_913 = arith.addi %parallel_loop3A_446, %parallel_loop3A_912 : i32
        %parallel_loop3A_914 = arith.constant 1 : i32
        %parallel_loop3A_915 = arith.index_cast %parallel_loop3A_914 : i32 to index
        %parallel_loop3A_916 = arith.index_cast %parallel_loop3A_913 : i32 to index
        %parallel_loop3A_917 = arith.constant 112 : index
        %parallel_loop3A_918 = tpu.vector_load %arg6[%parallel_loop3A_915, %parallel_loop3A_916, %parallel_loop3A_917] {strides = array<i32>} : memref<2x128x128xf32, #tpu.memory_space<vmem>>, vector<16xf32>,
        tpu.vector_store %arg6[%parallel_loop3A_915, %parallel_loop3A_916, %parallel_loop3A_917], %parallel_loop3A_911 {strides = array<i32>} : memref<2x128x128xf32, #tpu.memory_space<vmem>>, vector<16xf32>,
        %parallel_loop3A_919 = arith.addf %parallel_loop3A_444, %parallel_loop3A_894 : vector<16xf32>
        %parallel_loop3A_920 = arith.constant 3 : i32
        %parallel_loop3A_921 = arith.addi %parallel_loop3A_446, %parallel_loop3A_920 : i32
        %parallel_loop3A_922 = arith.constant 1 : i32
        %parallel_loop3A_923 = arith.index_cast %parallel_loop3A_922 : i32 to index
        %parallel_loop3A_924 = arith.index_cast %parallel_loop3A_921 : i32 to index
        %parallel_loop3A_925 = arith.constant 112 : index
        %parallel_loop3A_926 = tpu.vector_load %arg6[%parallel_loop3A_923, %parallel_loop3A_924, %parallel_loop3A_925] {strides = array<i32>} : memref<2x128x128xf32, #tpu.memory_space<vmem>>, vector<16xf32>,
        tpu.vector_store %arg6[%parallel_loop3A_923, %parallel_loop3A_924, %parallel_loop3A_925], %parallel_loop3A_919 {strides = array<i32>} : memref<2x128x128xf32, #tpu.memory_space<vmem>>, vector<16xf32>,
      } {sc.loop_unroll_factor = 4 : i64, sc.parallel_access}
      %lt3A_370 = arith.constant 3 : i32
      %lt3A_371 = arith.cmpi slt, %scan3A_141, %lt3A_370 : i32
      %convert_element_type3A_372 = arith.extui %lt3A_371 : i1 to i32
      %cond3A_373 = arith.constant 0 : i32
      %cond3A_374 = arith.cmpi ne, %convert_element_type3A_372, %cond3A_373 : i32
      scf.if %cond3A_374 {
        %add3A_435 = arith.constant 2 : i32
        %add3A_436 = arith.addi %add3A_284, %add3A_435 : i32
        %jit3A_437 = arith.constant 4 : i32
        %div3A_438 = arith.divsi %add3A_436, %jit3A_437 : i32
        %sign3A_439 = arith.constant 0 : i32
        %sign3A_440 = arith.cmpi sgt, %add3A_436, %sign3A_439 : i32
        %sign3A_441 = arith.extui %sign3A_440 : i1 to i32
        %sign3A_442 = arith.constant 0 : i32
        %sign3A_443 = arith.cmpi slt, %add3A_436, %sign3A_442 : i32
        %sign3A_444 = arith.extui %sign3A_443 : i1 to i32
        %sign3A_445 = arith.subi %sign3A_441, %sign3A_444 : i32
        %sign3A_446 = arith.constant 0 : i32
        %sign3A_447 = arith.cmpi sgt, %jit3A_437, %sign3A_446 : i32
        %sign3A_448 = arith.extui %sign3A_447 : i1 to i32
        %sign3A_449 = arith.constant 0 : i32
        %sign3A_450 = arith.cmpi slt, %jit3A_437, %sign3A_449 : i32
        %sign3A_451 = arith.extui %sign3A_450 : i1 to i32
        %sign3A_452 = arith.subi %sign3A_448, %sign3A_451 : i32
        %ne3A_453 = arith.cmpi ne, %sign3A_445, %sign3A_452 : i32
        %rem3A_454 = arith.remsi %add3A_436, %jit3A_437 : i32
        %ne3A_455 = arith.constant 0 : i32
        %ne3A_456 = arith.cmpi ne, %rem3A_454, %ne3A_455 : i32
        %and3A_457 = arith.andi %ne3A_453, %ne3A_456 : i1
        %sub3A_458 = arith.constant 1 : i32
        %sub3A_459 = arith.subi %div3A_438, %sub3A_458 : i32
        %select_n3A_460 = arith.select %and3A_457, %sub3A_459, %div3A_438 : i32
        %jit3A_461 = arith.constant 4 : i32
        %eq3A_462 = arith.constant 0 : i32
        %eq3A_463 = arith.cmpi eq, %jit3A_461, %eq3A_462 : i32
        %jit3A_464 = arith.constant 1 : i32
        %select_n3A_465 = arith.select %eq3A_463, %jit3A_464, %jit3A_461 : i32
        %rem3A_466 = arith.remsi %add3A_436, %select_n3A_465 : i32
        %ne3A_467 = arith.constant 0 : i32
        %ne3A_468 = arith.cmpi ne, %rem3A_466, %ne3A_467 : i32
        %lt3A_469 = arith.constant 0 : i32
        %lt3A_470 = arith.cmpi slt, %rem3A_466, %lt3A_469 : i32
        %lt3A_471 = arith.constant 0 : i32
        %lt3A_472 = arith.cmpi slt, %select_n3A_465, %lt3A_471 : i32
        %ne3A_473 = arith.xori %lt3A_470, %lt3A_472 : i1
        %and3A_474 = arith.andi %ne3A_473, %ne3A_468 : i1
        %add3A_475 = arith.addi %rem3A_466, %select_n3A_465 : i32
        %select_n3A_476 = arith.select %and3A_474, %add3A_475, %rem3A_466 : i32
        %add3A_477 = arith.addi %mul3A_2, %select_n3A_460 : i32
        %mul3A_478 = arith.constant 32 : i32
        %mul3A_479 = arith.muli %select_n3A_476, %mul3A_478 : i32
        %dma_start3A_480 = arith.constant 1 : i32
        %dma_start3A_481 = arith.constant 0 : i32
        %dma_start3A_482 = arith.constant 0 : i32
        %dma_start3A_483 = arith.constant 0 : i32
        %dma_start3A_484 = tpu.memref_slice %arg5[%dma_start3A_480, %dma_start3A_481, %dma_start3A_482, %dma_start3A_483] : memref<2x4x32x128xf32, #tpu.memory_space<vmem>> -> memref<1x4x32x128xf32, #tpu.memory_space<vmem>>
        %dma_start3A_485 = tpu.memref_squeeze %dma_start3A_484 : memref<1x4x32x128xf32, #tpu.memory_space<vmem>> -> memref<4x32x128xf32, #tpu.memory_space<vmem>>
        %dma_start3A_486 = arith.constant 0 : i32
        %dma_start3A_487 = arith.constant 0 : i32
        %dma_start3A_488 = tpu.memref_slice %arg2[%add3A_477, %dma_start3A_486, %mul3A_479, %dma_start3A_487] : memref<64x4x128x128xf32, #tpu.memory_space<hbm>> -> memref<1x4x32x128xf32, #tpu.memory_space<hbm>>
        %dma_start3A_489 = tpu.memref_squeeze %dma_start3A_488 : memref<1x4x32x128xf32, #tpu.memory_space<hbm>> -> memref<4x32x128xf32, #tpu.memory_space<hbm>>
        %dma_start3A_490 = arith.constant 0 : i32
        %dma_start3A_491 = arith.constant 0 : i32
        %dma_start3A_492 = arith.constant 0 : i32
        %dma_start3A_493 = tpu.memref_slice %arg5[%dma_start3A_480, %dma_start3A_490, %dma_start3A_491, %dma_start3A_492] : memref<2x4x32x128xf32, #tpu.memory_space<vmem>> -> memref<1x4x32x128xf32, #tpu.memory_space<vmem>>
        %dma_start3A_494 = tpu.memref_squeeze %dma_start3A_493 : memref<1x4x32x128xf32, #tpu.memory_space<vmem>> -> memref<4x32x128xf32, #tpu.memory_space<vmem>>
        %dma_start3A_495 = arith.constant 0 : i32
        %dma_start3A_496 = arith.constant 0 : i32
        %dma_start3A_497 = tpu.memref_slice %arg2[%add3A_477, %dma_start3A_495, %mul3A_479, %dma_start3A_496] : memref<64x4x128x128xf32, #tpu.memory_space<hbm>> -> memref<1x4x32x128xf32, #tpu.memory_space<hbm>>
        %dma_start3A_498 = tpu.memref_squeeze %dma_start3A_497 : memref<1x4x32x128xf32, #tpu.memory_space<hbm>> -> memref<4x32x128xf32, #tpu.memory_space<hbm>>
        tpu.enqueue_dma source(%dma_start3A_498 : memref<4x32x128xf32, #tpu.memory_space<hbm>>) target(%dma_start3A_494 : memref<4x32x128xf32, #tpu.memory_space<vmem>>) target_semaphore(%arg9 : memref<!tpu.dma_semaphore, #tpu.memory_space<semaphore_mem>>)
      } else {
      }
      %jit3A_375 = arith.constant 4 : i32
      %div3A_376 = arith.divsi %add3A_284, %jit3A_375 : i32
      %sign3A_377 = arith.constant 0 : i32
      %sign3A_378 = arith.cmpi sgt, %add3A_284, %sign3A_377 : i32
      %sign3A_379 = arith.extui %sign3A_378 : i1 to i32
      %sign3A_380 = arith.constant 0 : i32
      %sign3A_381 = arith.cmpi slt, %add3A_284, %sign3A_380 : i32
      %sign3A_382 = arith.extui %sign3A_381 : i1 to i32
      %sign3A_383 = arith.subi %sign3A_379, %sign3A_382 : i32
      %sign3A_384 = arith.constant 0 : i32
      %sign3A_385 = arith.cmpi sgt, %jit3A_375, %sign3A_384 : i32
      %sign3A_386 = arith.extui %sign3A_385 : i1 to i32
      %sign3A_387 = arith.constant 0 : i32
      %sign3A_388 = arith.cmpi slt, %jit3A_375, %sign3A_387 : i32
      %sign3A_389 = arith.extui %sign3A_388 : i1 to i32
      %sign3A_390 = arith.subi %sign3A_386, %sign3A_389 : i32
      %ne3A_391 = arith.cmpi ne, %sign3A_383, %sign3A_390 : i32
      %rem3A_392 = arith.remsi %add3A_284, %jit3A_375 : i32
      %ne3A_393 = arith.constant 0 : i32
      %ne3A_394 = arith.cmpi ne, %rem3A_392, %ne3A_393 : i32
      %and3A_395 = arith.andi %ne3A_391, %ne3A_394 : i1
      %sub3A_396 = arith.constant 1 : i32
      %sub3A_397 = arith.subi %div3A_376, %sub3A_396 : i32
      %select_n3A_398 = arith.select %and3A_395, %sub3A_397, %div3A_376 : i32
      %jit3A_399 = arith.constant 4 : i32
      %eq3A_400 = arith.constant 0 : i32
      %eq3A_401 = arith.cmpi eq, %jit3A_399, %eq3A_400 : i32
      %jit3A_402 = arith.constant 1 : i32
      %select_n3A_403 = arith.select %eq3A_401, %jit3A_402, %jit3A_399 : i32
      %rem3A_404 = arith.remsi %add3A_284, %select_n3A_403 : i32
      %ne3A_405 = arith.constant 0 : i32
      %ne3A_406 = arith.cmpi ne, %rem3A_404, %ne3A_405 : i32
      %lt3A_407 = arith.constant 0 : i32
      %lt3A_408 = arith.cmpi slt, %rem3A_404, %lt3A_407 : i32
      %lt3A_409 = arith.constant 0 : i32
      %lt3A_410 = arith.cmpi slt, %select_n3A_403, %lt3A_409 : i32
      %ne3A_411 = arith.xori %lt3A_408, %lt3A_410 : i1
      %and3A_412 = arith.andi %ne3A_411, %ne3A_406 : i1
      %add3A_413 = arith.addi %rem3A_404, %select_n3A_403 : i32
      %select_n3A_414 = arith.select %and3A_412, %add3A_413, %rem3A_404 : i32
      %add3A_415 = arith.addi %mul3A_2, %select_n3A_398 : i32
      %mul3A_416 = arith.constant 32 : i32
      %mul3A_417 = arith.muli %select_n3A_414, %mul3A_416 : i32
      %mul3A_418 = arith.constant 4 : i32
      %mul3A_419 = arith.muli %mul3A_417, %mul3A_418 : i32
      %dma_start3A_420 = arith.constant 1 : i32
      %dma_start3A_421 = arith.constant 0 : i32
      %dma_start3A_422 = arith.constant 0 : i32
      %dma_start3A_423 = tpu.memref_slice %arg6[%dma_start3A_420, %dma_start3A_421, %dma_start3A_422] : memref<2x128x128xf32, #tpu.memory_space<vmem>> -> memref<1x128x128xf32, #tpu.memory_space<vmem>>
      %dma_start3A_424 = tpu.memref_squeeze %dma_start3A_423 : memref<1x128x128xf32, #tpu.memory_space<vmem>> -> memref<128x128xf32, #tpu.memory_space<vmem>>
      %dma_start3A_425 = arith.constant 0 : i32
      %dma_start3A_426 = tpu.memref_slice %arg4[%add3A_415, %mul3A_419, %dma_start3A_425] : memref<64x512x128xf32, #tpu.memory_space<hbm>> -> memref<1x128x128xf32, #tpu.memory_space<hbm>>
      %dma_start3A_427 = tpu.memref_squeeze %dma_start3A_426 : memref<1x128x128xf32, #tpu.memory_space<hbm>> -> memref<128x128xf32, #tpu.memory_space<hbm>>
      %dma_start3A_428 = arith.constant 0 : i32
      %dma_start3A_429 = tpu.memref_slice %arg4[%add3A_415, %mul3A_419, %dma_start3A_428] : memref<64x512x128xf32, #tpu.memory_space<hbm>> -> memref<1x128x128xf32, #tpu.memory_space<hbm>>
      %dma_start3A_430 = tpu.memref_squeeze %dma_start3A_429 : memref<1x128x128xf32, #tpu.memory_space<hbm>> -> memref<128x128xf32, #tpu.memory_space<hbm>>
      %dma_start3A_431 = arith.constant 0 : i32
      %dma_start3A_432 = arith.constant 0 : i32
      %dma_start3A_433 = tpu.memref_slice %arg6[%dma_start3A_420, %dma_start3A_431, %dma_start3A_432] : memref<2x128x128xf32, #tpu.memory_space<vmem>> -> memref<1x128x128xf32, #tpu.memory_space<vmem>>
      %dma_start3A_434 = tpu.memref_squeeze %dma_start3A_433 : memref<1x128x128xf32, #tpu.memory_space<vmem>> -> memref<128x128xf32, #tpu.memory_space<vmem>>
      tpu.enqueue_dma source(%dma_start3A_434 : memref<128x128xf32, #tpu.memory_space<vmem>>) target(%dma_start3A_430 : memref<128x128xf32, #tpu.memory_space<hbm>>) target_semaphore(%arg11 : memref<!tpu.dma_semaphore, #tpu.memory_space<semaphore_mem>>)
    }
    %scan3A_107 = arith.constant 4 : i32
    %dma_wait3A = arith.constant 0 : i32
    %dma_wait3A_108 = arith.constant 0 : i32
    %dma_wait3A_109 = arith.constant 0 : i32
    %dma_wait3A_110 = tpu.memref_slice %arg6[%dma_wait3A, %dma_wait3A_108, %dma_wait3A_109] : memref<2x128x128xf32, #tpu.memory_space<vmem>> -> memref<1x128x128xf32, #tpu.memory_space<vmem>>
    %dma_wait3A_111 = tpu.memref_squeeze %dma_wait3A_110 : memref<1x128x128xf32, #tpu.memory_space<vmem>> -> memref<128x128xf32, #tpu.memory_space<vmem>>
    %dma_wait3A_112 = arith.constant 0 : i32
    %dma_wait3A_113 = arith.constant 0 : i32
    %dma_wait3A_114 = tpu.memref_slice %arg4[%mul3A_2, %dma_wait3A_112, %dma_wait3A_113] : memref<64x512x128xf32, #tpu.memory_space<hbm>> -> memref<1x128x128xf32, #tpu.memory_space<hbm>>
    %dma_wait3A_115 = tpu.memref_squeeze %dma_wait3A_114 : memref<1x128x128xf32, #tpu.memory_space<hbm>> -> memref<128x128xf32, #tpu.memory_space<hbm>>
    %dma_wait3A_116 = arith.constant 0 : i32
    %dma_wait3A_117 = arith.constant 0 : i32
    %dma_wait3A_118 = tpu.memref_slice %arg4[%mul3A_2, %dma_wait3A_116, %dma_wait3A_117] : memref<64x512x128xf32, #tpu.memory_space<hbm>> -> memref<1x128x128xf32, #tpu.memory_space<hbm>>
    %dma_wait3A_119 = tpu.memref_squeeze %dma_wait3A_118 : memref<1x128x128xf32, #tpu.memory_space<hbm>> -> memref<128x128xf32, #tpu.memory_space<hbm>>
    %dma_wait3A_120 = arith.constant 0 : i32
    %dma_wait3A_121 = arith.constant 0 : i32
    %dma_wait3A_122 = tpu.memref_slice %arg6[%dma_wait3A, %dma_wait3A_120, %dma_wait3A_121] : memref<2x128x128xf32, #tpu.memory_space<vmem>> -> memref<1x128x128xf32, #tpu.memory_space<vmem>>
    %dma_wait3A_123 = tpu.memref_squeeze %dma_wait3A_122 : memref<1x128x128xf32, #tpu.memory_space<vmem>> -> memref<128x128xf32, #tpu.memory_space<vmem>>
    tpu.wait_dma2 semaphore(%arg10 : memref<!tpu.dma_semaphore, #tpu.memory_space<semaphore_mem>>) src(%dma_wait3A_123 : memref<128x128xf32, #tpu.memory_space<vmem>>) dst(%dma_wait3A_119 : memref<128x128xf32, #tpu.memory_space<hbm>>)
    %dma_wait3A_124 = arith.constant 1 : i32
    %dma_wait3A_125 = arith.constant 0 : i32
    %dma_wait3A_126 = arith.constant 0 : i32
    %dma_wait3A_127 = tpu.memref_slice %arg6[%dma_wait3A_124, %dma_wait3A_125, %dma_wait3A_126] : memref<2x128x128xf32, #tpu.memory_space<vmem>> -> memref<1x128x128xf32, #tpu.memory_space<vmem>>
    %dma_wait3A_128 = tpu.memref_squeeze %dma_wait3A_127 : memref<1x128x128xf32, #tpu.memory_space<vmem>> -> memref<128x128xf32, #tpu.memory_space<vmem>>
    %dma_wait3A_129 = arith.constant 0 : i32
    %dma_wait3A_130 = arith.constant 0 : i32
    %dma_wait3A_131 = tpu.memref_slice %arg4[%mul3A_2, %dma_wait3A_129, %dma_wait3A_130] : memref<64x512x128xf32, #tpu.memory_space<hbm>> -> memref<1x128x128xf32, #tpu.memory_space<hbm>>
    %dma_wait3A_132 = tpu.memref_squeeze %dma_wait3A_131 : memref<1x128x128xf32, #tpu.memory_space<hbm>> -> memref<128x128xf32, #tpu.memory_space<hbm>>
    %dma_wait3A_133 = arith.constant 0 : i32
    %dma_wait3A_134 = arith.constant 0 : i32
    %dma_wait3A_135 = tpu.memref_slice %arg4[%mul3A_2, %dma_wait3A_133, %dma_wait3A_134] : memref<64x512x128xf32, #tpu.memory_space<hbm>> -> memref<1x128x128xf32, #tpu.memory_space<hbm>>
    %dma_wait3A_136 = tpu.memref_squeeze %dma_wait3A_135 : memref<1x128x128xf32, #tpu.memory_space<hbm>> -> memref<128x128xf32, #tpu.memory_space<hbm>>
    %dma_wait3A_137 = arith.constant 0 : i32
    %dma_wait3A_138 = arith.constant 0 : i32
    %dma_wait3A_139 = tpu.memref_slice %arg6[%dma_wait3A_124, %dma_wait3A_137, %dma_wait3A_138] : memref<2x128x128xf32, #tpu.memory_space<vmem>> -> memref<1x128x128xf32, #tpu.memory_space<vmem>>
    %dma_wait3A_140 = tpu.memref_squeeze %dma_wait3A_139 : memref<1x128x128xf32, #tpu.memory_space<vmem>> -> memref<128x128xf32, #tpu.memory_space<vmem>>
    tpu.wait_dma2 semaphore(%arg11 : memref<!tpu.dma_semaphore, #tpu.memory_space<semaphore_mem>>) src(%dma_wait3A_140 : memref<128x128xf32, #tpu.memory_space<vmem>>) dst(%dma_wait3A_136 : memref<128x128xf32, #tpu.memory_space<hbm>>)
    return
  }
}

</mosaic_0001>

<sc_bundles>
// kernel: _decode.3.cloned.1.call-start
scs
__scs_entry_jumppad:
0x0: {  	(pc) =	sbr.rel $0x88, $3  }
0x1: {  	(tag) =	ssettag $0x0;
	lr =	simm.s32 $0x1  }
0x2: {  	[smem:$0x3F9F] =	sst lr;
	_ =	strace $0xD0000000  }
0x3: {  	_ = 	snop  }
0x4: {  	_ = 	snop  }
0x5: {  	_ = 	snop  }
0x6: {  	_ = 	snop  }
0x7: {  	_ = 	snop  }
__scs_overlays_trampoline_lowered:
0x8: {  	[smem:$0x3FAE] =	sst s0  }
0x9: {  	[smem:$0x3FAF] =	sst s1  }
0xa: {  	[smem:$0x3FB0] =	sst s2  }
0xb: {  	[smem:$0x3FB1] =	sst s3  }
0xc: {  	[smem:$0x3FB2] =	sst s4  }
0xd: {  	[smem:$0x3FB3] =	sst s5  }
0xe: {  	[smem:$0x3FB4] =	sst s6  }
0xf: {  	[smem:$0x3FB5] =	sst s7  }
0x10: {  	[smem:$0x3FB6] =	sst s8  }
0x11: {  	[smem:$0x3FB7] =	sst s9;
	s0 =	simm.s32 @!p0 $0x0  }
0x12: {  	s1 =	sld [smem:$0x3F9D];
	s0 =	simm.s32 @p0 $0x1  }
0x13: {  	[smem:$0x3FB8] =	sst s0;
	s0 =	simm.s32 @!p1 $0x0  }
0x14: {  	s2 =	sld [smem:$0x3F9C];
	s0 =	simm.s32 @p1 $0x1  }
0x15: {  	[smem:$0x3FB9] =	sst s0;
	s0 =	simm.s32 @!p2 $0x0  }
0x16: {  	s3 =	sld [smem:$0x3FDB];
	s0 =	simm.s32 @p2 $0x1  }
0x17: {  	s4 =	simm.s32 $0x1BF5;
	[smem:$0x3FBB] =	sst s0  }
0x18: {  	s0 =	sld [smem:$0x3F9E];
	_ =	swait.ge [sflag:s4], $0x0  }
0x19: {  	s7 =	sld [smem:$0x3F9F]  }
0x1a: {  	s8 =	sadd.s32 $0xFFFFE003, lr  }
0x1b: {  	s9 =	sadd.s32 $0xFFFFFEF7, lr;
	s5 =	simm.s32 $0xFFFFFFFF;
	p2 =	slt.u32 s8, $0xFFFFF086  }
0x1c: {  	p1 =	slt.u32 s9, $0xF7A;
	s5 =	simm.s32 @!p2 $0x0  }
0x1d: {  	s5 =	simm.s32 @p1 $0x1;
	p0 =	seq.s32 s7, s2  }
0x1e: {  	s7 =	smul.u32 @!p0 $0xF7A, s2;
	p2 =	seq.s32 @!p0 s5, $0x0  }
0x1f: {  	s9 =	smul.u32 $0xF7A, s1;
	s8 =	simm.s32 @!p0 $0x1BF5;
	p2 =	por !p2, p0  }
0x20: {  	[sflag:s8] =	ssyncset.s32 @!p0 $0xFFFFF086;
	s6 =	sadd.s32 @!p0 s3, s7;
	s7 =	simm.s32 @!p0 $0x108  }
0x21: {  	s3 =	sadd.s32 s3, s9;
	s6 =	sadd.s32 @!p0 $0x88, s6;
	s7 =	simm.s32 @p2 $0x1082  }
0x22: {  	[simem:s7], [sflag:s8] =	dma.local @!p0 [hbm:s6], $0xF7A  }
0x23: {  	s9 =	sor.u32 $0xD0000000, s2;
	s6 =	simm.s32 $0x108;
	_ =	swait.ge @!p0 [sflag:s8], $0x0  }
0x24: {  	s3 =	sadd.s32 $0x88, s3;
	s6 =	simm.s32 @!p1 $0x1082;
	[sflag:s4] =	ssyncset.s32 $0xFFFFF086  }
0x25: {  	[simem:s6], [sflag:s4] =	dma.local [hbm:s3], $0xF7A  }
0x26: {  	[smem:$0x3F9F] =	sst s1;
	(tag) =	ssettag s2;
	_ =	strace s9  }
0x27: {  	s1 =	sld [smem:$0x3FAF]  }
0x28: {  	s2 =	sld [smem:$0x3FB0]  }
0x29: {  	s4 =	sld [smem:$0x3FB2]  }
0x2a: {  	p0 =	seq.s32 s5, $0x0;
	s5 =	sld [smem:$0x3FB3]  }
0x2b: {  	s6 =	sld [smem:$0x3FB4]  }
0x2c: {  	s7 =	sld [smem:$0x3FB5]  }
0x2d: {  	s3 =	simm.s32 $0x108;
	s8 =	sld [smem:$0x3FB6]  }
0x2e: {  	s3 =	simm.s32 @!p0 $0x1082;
	s9 =	sld [smem:$0x3FB7]  }
0x2f: {  	lr =	sadd.s32 s0, s3;
	s0 =	sld [smem:$0x3FAE]  }
0x30: {  	s3 =	sld [smem:$0x3FB1]  }
0x31: {  	[smem:$0x3FBA] =	sst s10  }
0x32: {  	s10 =	sld [smem:$0x3FB8];
	_ =	sdelay $0x3  }
0x33: {  	p0 =	seq.s32 s10, $0x1;
	s10 =	sld [smem:$0x3FBA];
	_ =	sdelay $0x3  }
0x34: {  	[smem:$0x3FBA] =	sst s10  }
0x35: {  	s10 =	sld [smem:$0x3FB9];
	_ =	sdelay $0x3  }
0x36: {  	p1 =	seq.s32 s10, $0x1;
	s10 =	sld [smem:$0x3FBA];
	_ =	sdelay $0x3  }
0x37: {  	[smem:$0x3FBA] =	sst s10  }
0x38: {  	s10 =	sld [smem:$0x3FBB]  }
0x39: {  	_ = 	snop;
	(pc) =	sbr.ind lr, $3  }
0x3a: {  	_ = 	snop  }
0x3b: {  	_ = 	snop  }
0x3c: {  	p2 =	seq.s32 s10, $0x1;
	s10 =	sld [smem:$0x3FBA]  }
0x3d: {  	_ =	shalt  }
0x3e: {  	_ =	shalt  }
0x3f: {  	_ =	shalt  }
0x40: {  	_ =	shalt  }
0x41: {  	_ =	shalt  }
0x42: {  	_ =	shalt  }
0x43: {  	_ =	shalt  }
0x44: {  	_ =	shalt  }
0x45: {  	_ =	shalt  }
0x46: {  	_ =	shalt  }
0x47: {  	_ =	shalt  }
0x48: {  	_ =	shalt  }
0x49: {  	_ =	shalt  }
0x4a: {  	_ =	shalt  }
0x4b: {  	_ =	shalt  }
0x4c: {  	_ =	shalt  }
0x4d: {  	_ =	shalt  }
0x4e: {  	_ =	shalt  }
0x4f: {  	_ =	shalt  }
0x50: {  	_ =	shalt  }
0x51: {  	_ =	shalt  }
0x52: {  	_ =	shalt  }
0x53: {  	_ =	shalt  }
0x54: {  	_ =	shalt  }
0x55: {  	_ =	shalt  }
0x56: {  	_ =	shalt  }
0x57: {  	_ =	shalt  }
0x58: {  	_ =	shalt  }
0x59: {  	_ =	shalt  }
0x5a: {  	_ =	shalt  }
0x5b: {  	_ =	shalt  }
0x5c: {  	_ =	shalt  }
0x5d: {  	_ =	shalt  }
0x5e: {  	_ =	shalt  }
0x5f: {  	_ =	shalt  }
0x60: {  	_ =	shalt  }
0x61: {  	_ =	shalt  }
0x62: {  	_ =	shalt  }
0x63: {  	_ =	shalt  }
0x64: {  	_ =	shalt  }
0x65: {  	_ =	shalt  }
0x66: {  	_ =	shalt  }
0x67: {  	_ =	shalt  }
0x68: {  	_ =	shalt  }
0x69: {  	_ =	shalt  }
0x6a: {  	_ =	shalt  }
0x6b: {  	_ =	shalt  }
0x6c: {  	_ =	shalt  }
0x6d: {  	_ =	shalt  }
0x6e: {  	_ =	shalt  }
0x6f: {  	_ =	shalt  }
0x70: {  	_ =	shalt  }
0x71: {  	_ =	shalt  }
0x72: {  	_ =	shalt  }
0x73: {  	_ =	shalt  }
0x74: {  	_ =	shalt  }
0x75: {  	_ =	shalt  }
0x76: {  	_ =	shalt  }
0x77: {  	_ =	shalt  }
0x78: {  	_ =	shalt  }
0x79: {  	_ =	shalt  }
0x7a: {  	_ =	shalt  }
0x7b: {  	_ =	shalt  }
0x7c: {  	_ =	shalt  }
0x7d: {  	_ =	shalt  }
0x7e: {  	_ =	shalt  }
0x7f: {  	_ =	shalt  }
0x80: {  	_ =	shalt  }
0x81: {  	_ =	shalt  }
0x82: {  	_ =	shalt  }
0x83: {  	_ =	shalt  }
0x84: {  	_ =	shalt  }
0x85: {  	_ =	shalt  }
0x86: {  	_ =	shalt  }
0x87: {  	_ =	shalt  }
.Lfunc_end0:
.L_simem_size_0:
called_computation_lowered:
.L_overlay_start_0:
0x88: {  	s2 =	sld [smem:$0x3FD9]  }
0x89: {  	s3 =	sld [smem:$0x3FFE];
	_ =	sdelay $0x1  }
0x8a: {  	s1 =	srdreg.scid  }
0x8b: {  	s0 =	sand.u32 $0x1, s1  }
0x8c: {  	s17 =	sshll.u32 s0, $0xA;
	s2 =	sadd.s32 s3, s2  }
0x8d: {  	s2 =	sadd.s32 s2, s17  }
0x8e: {  	[smem:$0x3FC6] =	sst s2  }
0x8f: {  	_ = 	snop  }
0x90: {  	s2 =	sld [smem:$0x3FC9]  }
0x91: {  	s18 =	sld [smem:$0x3FD0];
	(tm) =	ssettm $0x1  }
0x92: {  	s4 =	sld [smem:$0x3FFB];
	_ =	sdelay $0x3  }
0x93: {  	_ =	strace s4  }
0x94: {  	s4 =	sld [smem:$0x3FFC];
	_ =	sdelay $0x3  }
0x95: {  	_ =	strace s4  }
0x96: {  	s4 =	sld [smem:$0x3FFD];
	_ =	sdelay $0x3  }
0x97: {  	_ =	strace s4  }
0x98: {  	_ =	strace $0x8FFFFFFF  }
0x99: {  	s19 =	sld [smem:$0x3FDB];
	_ =	sdelay $0x1  }
0x9a: {  	s5 =	simm.s32 $_scs_section_size  }
0x9b: {  	s6 =	simm.s32 $_size__tile_overlayer_lowered;
	s7 =	simm.s32 $_tile_overlayer_lowered  }
0x9c: {  	s22 =	simm.s32 $0x1BFF;
	s21 =	sshll.u32 s7, $0x1;
	s4 =	sadd.s32 s5, s19  }
0x9d: {  	s8 =	simm.s32 $0x0;
	s20 =	sshll.u32 s6, $0x1;
	s6 =	sadd.s32 s21, s4  }
0x9e: {  	[timem:s8], [sflag:s22] =	dma.local [hbm:s6], s20  }
0x9f: {  	_ =	swait.ge [sflag:s22], s20  }
0xa0: {  	s5 =	ssub.s32 $0x0, s20;
	[sflag:s22] =	ssyncset.done $0x0  }
0xa1: {  	[sflag:s22] =	ssyncadd.s32 s5;
	_ =	sdelay $0x1  }
0xa2: {  	s23 =	simm.s32 $0x1B8B  }
0xa3: {  	_ =	swait.ge [sflag:s23], $0x1  }
0xa4: {  	[sflag:s23] =	ssyncset.done $0x0  }
0xa5: {  	s25 =	simm.s32 $0x1B8E;
	s24 =	sld [smem:$0x3FFE];
	[sflag:s23] =	ssyncadd.s32 $0xFFFFFFFF  }
0xa6: {  	s26 =	simm.s32 $execute0_lowered;
	[smem:$0x3FD2] =	sst s25  }
0xa7: {  	s6 =	sshll.u32 s26, $0x1;
	_ =	strace $0x80000046;
	[dreg:$0x1] =	wrdreg $0xFFFFFFFF  }
0xa8: {  	s28 =	simm.s32 $_size_execute0_lowered;
	s4 =	sadd.s32 s4, s6;
	[dreg:$0x0] =	wrdreg $0x0  }
0xa9: {  	s6 =	sshll.u32 s28, $0x1;
	[dreg:$0x2] =	wrdreg s4  }
0xaa: {  	[dreg:$0x3] =	wrdreg s6  }
0xab: {  	[dreg:$0x4] =	wrdreg $0xC0  }
0xac: {  	_ =	task [dreg:s8], $0x5FFFF  }
0xad: {  	[dreg:$0x1] =	wrdreg $0xFFFFFFFF  }
0xae: {  	[dreg:$0x0] =	wrdreg $0x60  }
0xaf: {  	[dreg:$0x2] =	wrdreg s2  }
0xb0: {  	[dreg:$0x3] =	wrdreg s24  }
0xb1: {  	[dreg:$0x4] =	wrdreg s18  }
0xb2: {  	[dreg:$0x5] =	wrdreg $0x9  }
0xb3: {  	_ =	task.clear_ibuf [dreg:s8], $0x6FFFF;
	_ =	strace $0x90000046  }
0xb4: {  	s29 =	simm.s32 $0x9;
	_ =	strace $0x80000048  }
0xb5: {  	_ =	swait.ge [sflag:s29], $0x1  }
0xb6: {  	[sflag:s29] =	ssyncadd.s32 $0xFFFFFFFF  }
0xb7: {  	_ =	strace $0x90000048  }
0xb8: {  	_ =	sfence  }
0xb9: {  	s30 =	sld [smem:$0x0];
	_ =	sdelay $0x2  }
0xba: {  	s31 =	sshll.u32 s1, $0xD;
	s1 =	sshrl.u32 s1, $0x2  }
0xbb: {  	s3 =	sand.u32 $0x4000, s31;
	s1 =	sadd.s32 s1, s30  }
0xbc: {  	s0 =	sor.u32 s3, s0;
	s1 =	sshll.u32 s1, $0x11  }
0xbd: {  	s0 =	sor.u32 s1, s0  }
0xbe: {  	s0 =	sadd.s32 $0x8F2B, s0  }
0xbf: {  	[sflag:s0] =	ssyncadd.remote.s32 $0x1  }
0xc0: {  	_ =	sfence.sel $0xFFFF  }
0xc1: {  	[dreg:$0x0] =	wrdreg $0xFFFFFFFF;
	(pc) =	sbr.abs _section_cstart, $3  }
0xc2: {  	[dreg:$0x1] =	wrdreg $0xFFFFFFFF  }
0xc3: {  	_ =	task.clear_ibuf [dreg:s8], $0x2FFFF;
	_ =	strace $0x9FFFFFFF  }
0xc4: {  	(tm) =	ssettm $0x7FFFFFFF  }
0xc5: {  	_ =	shalt  }
tec
execute0_lowered:
.L_overlay_start_1:
0x0: {  	(tag) =	ssettag $0x1  }
0x1: {  	v0 =	vimm.f32 $1.550000000e+01;
	vm11 =	vcmask $0x300  }
0x2: {  	v1 =	vimm.f32 $3.150000000e+01;
	vm12 =	vcmask $0x704;
	vm13 =	vcmask $0xB08  }
0x3: {  	vm14 =	vcmask $0xF0C;
	vm10 =	vcmask $0x1310;
	vm9 =	vcmask $0x1714  }
0x4: {  	vm8 =	vcmask $0x1B18;
	vm7 =	vcmask $0x1F1C;
	vm6 =	vcmask $0x2320  }
0x5: {  	vm5 =	vcmask $0x2724;
	vm4 =	vcmask $0x2B28;
	vm3 =	vcmask $0x2F2C  }
0x6: {  	vm1 =	vcmask $0x3330;
	vm2 =	vcmask $0x3734;
	vm0 =	vcmask $0x3B38  }
0x7: {  	v2 =	vimm.f32 $4.750000000e+01;
	v3 =	vimm.f32 $6.350000000e+01;
	v4 =	vimm.f32 $7.950000000e+01  }
0x8: {  	v5 =	vimm.f32 $9.550000000e+01;
	v6 =	vimm.f32 $1.115000000e+02;
	v7 =	vimm.f32 $1.275000000e+02  }
0x9: {  	v0 =	vsel vm11, $0x3F000000, v0;
	v1 =	vsel vm11, $0x41840000, v1;
	v2 =	vsel vm11, $0x42020000, v2  }
0xa: {  	v3 =	vsel vm11, $0x42420000, v3;
	v4 =	vsel vm11, $0x42810000, v4;
	v5 =	vsel vm11, $0x42A10000, v5  }
0xb: {  	v6 =	vsel vm11, $0x42C10000, v6;
	v7 =	vsel vm11, $0x42E10000, v7;
	v0 =	vsel vm12, $0x3FC00000, v0  }
0xc: {  	v1 =	vsel vm12, $0x418C0000, v1;
	v2 =	vsel vm12, $0x42060000, v2;
	v3 =	vsel vm12, $0x42460000, v3  }
0xd: {  	v4 =	vsel vm12, $0x42830000, v4;
	v5 =	vsel vm12, $0x42A30000, v5;
	v6 =	vsel vm12, $0x42C30000, v6  }
0xe: {  	v7 =	vsel vm12, $0x42E30000, v7;
	v0 =	vsel vm13, $0x40200000, v0;
	v1 =	vsel vm13, $0x41940000, v1  }
0xf: {  	v2 =	vsel vm13, $0x420A0000, v2;
	v3 =	vsel vm13, $0x424A0000, v3;
	v4 =	vsel vm13, $0x42850000, v4  }
0x10: {  	v5 =	vsel vm13, $0x42A50000, v5;
	v6 =	vsel vm13, $0x42C50000, v6;
	v7 =	vsel vm13, $0x42E50000, v7  }
0x11: {  	v0 =	vsel vm14, $0x40600000, v0;
	v1 =	vsel vm14, $0x419C0000, v1;
	v2 =	vsel vm14, $0x420E0000, v2  }
0x12: {  	v3 =	vsel vm14, $0x424E0000, v3;
	v4 =	vsel vm14, $0x42870000, v4;
	v5 =	vsel vm14, $0x42A70000, v5  }
0x13: {  	v6 =	vsel vm14, $0x42C70000, v6;
	v7 =	vsel vm14, $0x42E70000, v7;
	v0 =	vsel vm10, $0x40900000, v0  }
0x14: {  	v1 =	vsel vm10, $0x41A40000, v1;
	v2 =	vsel vm10, $0x42120000, v2;
	v3 =	vsel vm10, $0x42520000, v3  }
0x15: {  	v4 =	vsel vm10, $0x42890000, v4;
	v5 =	vsel vm10, $0x42A90000, v5;
	v6 =	vsel vm10, $0x42C90000, v6  }
0x16: {  	v7 =	vsel vm10, $0x42E90000, v7;
	v0 =	vsel vm9, $0x40B00000, v0;
	v1 =	vsel vm9, $0x41AC0000, v1  }
0x17: {  	v2 =	vsel vm9, $0x42160000, v2;
	v3 =	vsel vm9, $0x42560000, v3;
	v4 =	vsel vm9, $0x428B0000, v4  }
0x18: {  	v5 =	vsel vm9, $0x42AB0000, v5;
	v6 =	vsel vm9, $0x42CB0000, v6;
	v7 =	vsel vm9, $0x42EB0000, v7  }
0x19: {  	v0 =	vsel vm8, $0x40D00000, v0;
	v1 =	vsel vm8, $0x41B40000, v1;
	v2 =	vsel vm8, $0x421A0000, v2  }
0x1a: {  	v3 =	vsel vm8, $0x425A0000, v3;
	v4 =	vsel vm8, $0x428D0000, v4;
	v5 =	vsel vm8, $0x42AD0000, v5  }
0x1b: {  	v6 =	vsel vm8, $0x42CD0000, v6;
	v7 =	vsel vm8, $0x42ED0000, v7;
	v0 =	vsel vm7, $0x40F00000, v0  }
0x1c: {  	v1 =	vsel vm7, $0x41BC0000, v1;
	v2 =	vsel vm7, $0x421E0000, v2;
	v3 =	vsel vm7, $0x425E0000, v3  }
0x1d: {  	v4 =	vsel vm7, $0x428F0000, v4;
	v5 =	vsel vm7, $0x42AF0000, v5;
	v6 =	vsel vm7, $0x42CF0000, v6  }
0x1e: {  	v7 =	vsel vm7, $0x42EF0000, v7;
	v0 =	vsel vm6, $0x41080000, v0;
	v1 =	vsel vm6, $0x41C40000, v1  }
0x1f: {  	v2 =	vsel vm6, $0x42220000, v2;
	v3 =	vsel vm6, $0x42620000, v3;
	v4 =	vsel vm6, $0x42910000, v4  }
0x20: {  	v5 =	vsel vm6, $0x42B10000, v5;
	v6 =	vsel vm6, $0x42D10000, v6;
	v7 =	vsel vm6, $0x42F10000, v7  }
0x21: {  	v0 =	vsel vm5, $0x41180000, v0;
	v1 =	vsel vm5, $0x41CC0000, v1;
	v2 =	vsel vm5, $0x42260000, v2  }
0x22: {  	v3 =	vsel vm5, $0x42660000, v3;
	v4 =	vsel vm5, $0x42930000, v4;
	v5 =	vsel vm5, $0x42B30000, v5  }
0x23: {  	v6 =	vsel vm5, $0x42D30000, v6;
	v7 =	vsel vm5, $0x42F30000, v7;
	v0 =	vsel vm4, $0x41280000, v0  }
0x24: {  	v1 =	vsel vm4, $0x41D40000, v1;
	v2 =	vsel vm4, $0x422A0000, v2;
	v3 =	vsel vm4, $0x426A0000, v3  }
0x25: {  	v4 =	vsel vm4, $0x42950000, v4;
	v5 =	vsel vm4, $0x42B50000, v5;
	v6 =	vsel vm4, $0x42D50000, v6  }
0x26: {  	s0 =	rddreg [dreg:$0x0];
	v7 =	vsel vm4, $0x42F50000, v7;
	v0 =	vsel vm3, $0x41380000, v0;
	v1 =	vsel vm3, $0x41DC0000, v1  }
0x27: {  	s1 =	srdreg.scid;
	s2 =	rddreg [dreg:$0x1];
	v2 =	vsel vm3, $0x422E0000, v2;
	v3 =	vsel vm3, $0x426E0000, v3;
	v4 =	vsel vm3, $0x42970000, v4  }
0x28: {  	s4 =	stileid.u32;
	s3 =	rddreg [dreg:$0x2];
	v5 =	vsel vm3, $0x42B70000, v5;
	v6 =	vsel vm3, $0x42D70000, v6;
	v7 =	vsel vm3, $0x42F70000, v7  }
0x29: {  	s10 =	simm.s32 $0x10000;
	s11 =	simm.s32 $0x5;
	s14 =	simm.s32 $0x1;
	v0 =	vsel vm1, $0x41480000, v0;
	v1 =	vsel vm1, $0x41E40000, v1;
	v2 =	vsel vm1, $0x42320000, v2  }
0x2a: {  	s15 =	simm.s32 $0x8000;
	s16 =	simm.s32 $0x2;
	s17 =	simm.s32 $0xC000;
	v3 =	vsel vm1, $0x42720000, v3;
	v4 =	vsel vm1, $0x42990000, v4;
	v5 =	vsel vm1, $0x42B90000, v5  }
0x2b: {  	s18 =	simm.s32 $0x3;
	s19 =	simm.s32 $0x4;
	s1 =	sand.u32 $0x1, s1;
	v6 =	vsel vm1, $0x42D90000, v6;
	v7 =	vsel vm1, $0x42F90000, v7;
	v0 =	vsel vm2, $0x41580000, v0  }
0x2c: {  	s20 =	simm.s32 $0x0;
	s5 =	sshll.u32 s4, $0x2;
	s6 =	sshll.u32 s1, $0x1;
	v1 =	vsel vm2, $0x41EC0000, v1;
	v2 =	vsel vm2, $0x42360000, v2;
	v3 =	vsel vm2, $0x42760000, v3  }
0x2d: {  	s4 =	simm.s32 $0x0;
	s1 =	ssub.s32 $0x2, s1;
	s5 =	sor.u32 s6, s5;
	v4 =	vsel vm2, $0x429B0000, v4;
	v5 =	vsel vm2, $0x42BB0000, v5;
	v6 =	vsel vm2, $0x42DB0000, v6  }
0x2e: {  	s7 =	sadd.s32 $0x400, s2;
	s8 =	sshrl.u32 s1, $0x1;
	s6 =	sshll.u32 s5, $0xD;
	v7 =	vsel vm2, $0x42FB0000, v7;
	v0 =	vsel vm0, $0x41680000, v0;
	v1 =	vsel vm0, $0x41F40000, v1  }
0x2f: {  	[smem:$0x7FF] =	sst s4;
	s1 =	ssub.s32 s1, s8;
	s6 =	sadd.s32 s0, s6;
	v2 =	vsel vm0, $0x423A0000, v2;
	v3 =	vsel vm0, $0x427A0000, v3;
	v4 =	vsel vm0, $0x429D0000, v4  }
0x30: {  	_ =	strace $0x80000047;
	s9 =	smax.u32 s1, $0x1;
	s8 =	sadd.s32 $0x200, s6;
	v5 =	vsel vm0, $0x42BD0000, v5;
	v6 =	vsel vm0, $0x42DD0000, v6;
	v7 =	vsel vm0, $0x42FD0000, v7  }
.LBB2_1:
0x31: {  	[tilespmem:s10], [sflag:$0x5] =	stream.linear.gather [hbm4b:s7+s4], $0x2000, $0x38;
	[tilespmem:$0x12000] =	vst v63  }
0x32: {  	_ =	swait.ge [sflag:s11], $0x2000  }
0x33: {  	[sflag:s11] =	ssyncset.done $0x0  }
0x34: {  	s1 =	simm.s32 $0x1000;
	s2 =	simm.s32 $0x4000;
	[sflag:s11] =	ssyncadd.s32 $0xFFFFE000  }
0x35: {  	[tilespmem:s4], [sflag:$0x1] =	stream.strided.gather [hbm4b:s6+s1], $0x4000, s2, s1, $0x38;
	[tilespmem:$0x12000] =	vst v63  }
0x36: {  	s21 =	simm.s32 $0x0  }
0x37: {  	[tilespmem:s2], [sflag:$0x2] =	stream.strided.gather [hbm4b:s8+s1], $0x4000, s2, s1, $0x38;
	[tilespmem:$0x12000] =	vst v63  }
.LBB2_2:
0x38: {  	s1 =	sshrl.u32 s21, $0x1  }
0x39: {  	p1 =	seq.s32 s21, $0x0;
	s23 =	sor.u32 s5, s1  }
0x3a: {  	s1 =	simm.s32 @!p1 $0x3;
	s2 =	sshll.u32 s23, $0x7  }
0x3b: {  	_ =	swait.ge @!p1 [sflag:s1], $0x4000;
	v8 =	vmov s2  }
0x3c: {  	[sflag:s1] =	ssyncset.done @!p1 $0x0;
	v9 =	vor.u32 $0x1, v8  }
0x3d: {  	[sflag:s1] =	ssyncadd.s32 @!p1 $0xFFFFC000  }
0x3e: {  	_ =	swait.ge [sflag:s14], $0x4000  }
0x3f: {  	[sflag:s14] =	ssyncset.done $0x0  }
0x40: {  	[sflag:s14] =	ssyncadd.s32 $0xFFFFC000  }
0x41: {  	v18 =	vld.idx.msk [tilespmem:v9+s10+$0x0], $0xffff;
	_ =	sdelay $0x4  }
0x42: {  	v10 =	vmul.f32 v0, v18;
	v11 =	vmul.f32 v1, v18  }
0x43: {  	s22 =	sshll.u32 s21, $0x1;
	v12 =	vmul.f32 v2, v18;
	v13 =	vmul.f32 v3, v18  }
0x44: {  	s24 =	sand.u32 $0x2, s22;
	v14 =	vmul.f32 v4, v18;
	v15 =	vmul.f32 v5, v18  }
0x45: {  	s26 =	simm.s32 $0x0;
	s25 =	sshll.u32 s24, $0x5;
	v16 =	vld.idx.msk [tilespmem:v8+s10+$0x0], $0xffff;
	v17 =	vmul.f32 v6, v18;
	v18 =	vmul.f32 v7, v18  }
.LBB2_3:
0x46: {  	s1 =	sor.u32 s25, s26  }
0x47: {  	s29 =	sshll.u32 s26, $0x9;
	v19 =	vmov s1  }
0x48: {  	s31 =	sshra.s32 s29, $0x2;
	v19 =	vcvt.s32.f32 v19  }
0x49: {  	v21 =	vld [tilespmem:s31+$0x0]  }
0x4a: {  	v23 =	vld [tilespmem:s31+$0x2000];
	v19 =	vadd.f32 $5.000000000e-01, v19  }
0x4b: {  	s2 =	sor.u32 $0x1, s26;
	v22 =	vld [tilespmem:s31+$0x1000]  }
0x4c: {  	s12 =	sor.u32 s25, s2;
	v25 =	vld [tilespmem:s31+$0x3000];
	v19 =	vbroadcast v19, $0x0  }
0x4d: {  	s2 =	sshll.u32 s2, $0x9;
	v20 =	vmov s12  }
0x4e: {  	s30 =	sshra.s32 s2, $0x2;
	v24 =	vcvt.s32.f32 v20;
	v21 =	vsub.f32 v10, v21;
	v20 =	vmul.f32 v19, v16  }
0x4f: {  	s29 =	sand.u32 $0x3FFFFE00, s29;
	v34 =	vld [tilespmem:s30+$0x0];
	v35 =	vadd.f32 v23, v10  }
0x50: {  	v27 =	vld [tilespmem:s30+$0x2000];
	v19 =	vadd.f32 $5.000000000e-01, v24;
	[tilespmem:s29+$0x8000] =	vst v21;
	v22 =	vsub.f32 v20, v22  }
0x51: {  	v26 =	vld [tilespmem:s30+$0x1000];
	[tilespmem:s29+$0x8100] =	vst v35;
	v37 =	vadd.f32 v25, v20  }
0x52: {  	v36 =	vld [tilespmem:s30+$0x3000];
	v19 =	vbroadcast v19, $0x0;
	[tilespmem:s29+$0x8080] =	vst v22  }
0x53: {  	[tilespmem:s29+$0x8180] =	vst v37  }
0x54: {  	v38 =	vsub.f32 v10, v34;
	v19 =	vmul.f32 v19, v16;
	v40 =	vld [tilespmem:s31+$0x10]  }
0x55: {  	s28 =	sand.u32 $0x3FFFFE00, s2;
	v41 =	vadd.f32 v27, v10;
	v42 =	vld [tilespmem:s31+$0x1010]  }
0x56: {  	[tilespmem:s28+$0x8000] =	vst v38;
	v44 =	vld [tilespmem:s31+$0x2010];
	v39 =	vsub.f32 v19, v26  }
0x57: {  	[tilespmem:s28+$0x8100] =	vst v41;
	v45 =	vld [tilespmem:s31+$0x3010];
	v43 =	vadd.f32 v36, v19  }
0x58: {  	[tilespmem:s28+$0x8080] =	vst v39  }
0x59: {  	[tilespmem:s28+$0x8180] =	vst v43;
	v24 =	vsub.f32 v11, v40  }
0x5a: {  	v22 =	vld [tilespmem:s30+$0x10];
	v25 =	vsub.f32 v20, v42  }
0x5b: {  	v46 =	vld [tilespmem:s30+$0x1010];
	v23 =	vadd.f32 v44, v11;
	[tilespmem:s29+$0x8010] =	vst v24  }
0x5c: {  	v47 =	vld [tilespmem:s30+$0x2010];
	v21 =	vadd.f32 v45, v20;
	[tilespmem:s29+$0x8090] =	vst v25  }
0x5d: {  	v48 =	vld [tilespmem:s30+$0x3010];
	[tilespmem:s29+$0x8110] =	vst v23  }
0x5e: {  	[tilespmem:s29+$0x8190] =	vst v21  }
0x5f: {  	v23 =	vld [tilespmem:s31+$0x20];
	v22 =	vsub.f32 v11, v22  }
0x60: {  	v25 =	vld [tilespmem:s31+$0x1020];
	v49 =	vsub.f32 v19, v46  }
0x61: {  	v52 =	vld [tilespmem:s31+$0x2020];
	v50 =	vadd.f32 v47, v11;
	[tilespmem:s28+$0x8010] =	vst v22  }
0x62: {  	v53 =	vld [tilespmem:s31+$0x3020];
	v51 =	vadd.f32 v48, v19;
	[tilespmem:s28+$0x8090] =	vst v49  }
0x63: {  	[tilespmem:s28+$0x8110] =	vst v50  }
0x64: {  	[tilespmem:s28+$0x8190] =	vst v51;
	v23 =	vsub.f32 v12, v23  }
0x65: {  	v21 =	vld [tilespmem:s30+$0x20];
	v25 =	vsub.f32 v20, v25  }
0x66: {  	v54 =	vld [tilespmem:s30+$0x1020];
	v56 =	vadd.f32 v52, v12;
	[tilespmem:s29+$0x8020] =	vst v23  }
0x67: {  	v55 =	vld [tilespmem:s30+$0x2020];
	v22 =	vadd.f32 v53, v20;
	[tilespmem:s29+$0x80A0] =	vst v25  }
0x68: {  	v57 =	vld [tilespmem:s30+$0x3020];
	[tilespmem:s29+$0x8120] =	vst v56  }
0x69: {  	[tilespmem:s29+$0x81A0] =	vst v22  }
0x6a: {  	v23 =	vld [tilespmem:s31+$0x30];
	v21 =	vsub.f32 v12, v21  }
0x6b: {  	v25 =	vld [tilespmem:s31+$0x1030];
	v58 =	vsub.f32 v19, v54  }
0x6c: {  	v61 =	vld [tilespmem:s31+$0x2030];
	v59 =	vadd.f32 v55, v12;
	[tilespmem:s28+$0x8020] =	vst v21  }
0x6d: {  	v62 =	vld [tilespmem:s31+$0x3030];
	v60 =	vadd.f32 v57, v19;
	[tilespmem:s28+$0x80A0] =	vst v58  }
0x6e: {  	[tilespmem:s28+$0x8120] =	vst v59  }
0x6f: {  	[tilespmem:s28+$0x81A0] =	vst v60;
	v23 =	vsub.f32 v13, v23  }
0x70: {  	v22 =	vld [tilespmem:s30+$0x30];
	v25 =	vsub.f32 v20, v25  }
0x71: {  	s12 =	sor.u32 $0x2, s26;
	v63 =	vld [tilespmem:s30+$0x1030];
	v31 =	vadd.f32 v61, v13;
	[tilespmem:s29+$0x8030] =	vst v23  }
0x72: {  	s13 =	sor.u32 s25, s12;
	s12 =	sshll.u32 s12, $0x9;
	v30 =	vld [tilespmem:s30+$0x2030];
	v21 =	vadd.f32 v62, v20;
	[tilespmem:s29+$0x80B0] =	vst v25  }
0x73: {  	s2 =	sshra.s32 s12, $0x2;
	v32 =	vld [tilespmem:s30+$0x3030];
	[tilespmem:s29+$0x8130] =	vst v31  }
0x74: {  	v51 =	vld [tilespmem:s2+$0x2000];
	[tilespmem:s29+$0x81B0] =	vst v21  }
0x75: {  	v23 =	vld [tilespmem:s31+$0x40];
	v22 =	vsub.f32 v13, v22  }
0x76: {  	v25 =	vld [tilespmem:s31+$0x1040];
	v33 =	vsub.f32 v19, v63  }
0x77: {  	v36 =	vld [tilespmem:s31+$0x2040];
	v34 =	vadd.f32 v30, v13;
	[tilespmem:s28+$0x8030] =	vst v22  }
0x78: {  	v37 =	vld [tilespmem:s31+$0x3040];
	v35 =	vadd.f32 v32, v19;
	[tilespmem:s28+$0x80B0] =	vst v33  }
0x79: {  	v31 =	vld [tilespmem:s2+$0x1000];
	[tilespmem:s28+$0x8130] =	vst v34  }
0x7a: {  	v30 =	vld [tilespmem:s2+$0x0];
	[tilespmem:s28+$0x81B0] =	vst v35;
	v23 =	vsub.f32 v14, v23  }
0x7b: {  	v21 =	vld [tilespmem:s30+$0x40];
	v25 =	vsub.f32 v20, v25  }
0x7c: {  	v38 =	vld [tilespmem:s30+$0x1040];
	v40 =	vadd.f32 v36, v14;
	[tilespmem:s29+$0x8040] =	vst v23  }
0x7d: {  	v39 =	vld [tilespmem:s30+$0x2040];
	v22 =	vadd.f32 v37, v20;
	[tilespmem:s29+$0x80C0] =	vst v25  }
0x7e: {  	v41 =	vld [tilespmem:s30+$0x3040];
	[tilespmem:s29+$0x8140] =	vst v40  }
0x7f: {  	v59 =	vadd.f32 v51, v10;
	v33 =	vld [tilespmem:s2+$0x3000];
	[tilespmem:s29+$0x81C0] =	vst v22  }
0x80: {  	s12 =	sand.u32 $0x3FFFFE00, s12;
	v48 =	vmov s13;
	v23 =	vld [tilespmem:s31+$0x50];
	v21 =	vsub.f32 v14, v21  }
0x81: {  	s1 =	sor.u32 $0x3, s26;
	v27 =	vcvt.s32.f32 v48;
	[tilespmem:s12+$0x8100] =	vst v59;
	v25 =	vld [tilespmem:s31+$0x1050];
	v42 =	vsub.f32 v19, v38  }
0x82: {  	s13 =	sor.u32 s25, s1;
	v45 =	vld [tilespmem:s31+$0x2050];
	v43 =	vadd.f32 v39, v14;
	[tilespmem:s28+$0x8040] =	vst v21  }
0x83: {  	v27 =	vadd.f32 $5.000000000e-01, v27;
	v32 =	vmov s13;
	s13 =	sshll.u32 s1, $0x9;
	v46 =	vld [tilespmem:s31+$0x3050];
	v44 =	vadd.f32 v41, v19;
	[tilespmem:s28+$0x80C0] =	vst v42  }
0x84: {  	s1 =	sshra.s32 s13, $0x2;
	v55 =	vsub.f32 v10, v30;
	[tilespmem:s28+$0x8140] =	vst v43  }
0x85: {  	v50 =	vbroadcast v27, $0x0;
	v54 =	vld [tilespmem:s1+$0x0];
	[tilespmem:s28+$0x81C0] =	vst v44;
	v23 =	vsub.f32 v15, v23  }
0x86: {  	[tilespmem:s12+$0x8000] =	vst v55;
	v22 =	vld [tilespmem:s30+$0x50];
	v25 =	vsub.f32 v20, v25  }
0x87: {  	v32 =	vcvt.s32.f32 v32;
	v56 =	vld [tilespmem:s1+$0x1000];
	v21 =	vmul.f32 v50, v16;
	v49 =	vadd.f32 v45, v15;
	[tilespmem:s29+$0x8050] =	vst v23  }
0x88: {  	v58 =	vld [tilespmem:s1+$0x2000];
	v52 =	vadd.f32 v46, v20;
	[tilespmem:s29+$0x80D0] =	vst v25  }
0x89: {  	v60 =	vld [tilespmem:s1+$0x3000];
	v53 =	vadd.f32 $5.000000000e-01, v32;
	v57 =	vsub.f32 v21, v31;
	[tilespmem:s29+$0x8150] =	vst v49  }
0x8a: {  	v47 =	vld [tilespmem:s30+$0x1050];
	v61 =	vadd.f32 v33, v21;
	[tilespmem:s29+$0x81D0] =	vst v52  }
0x8b: {  	v28 =	vld [tilespmem:s30+$0x2050];
	v23 =	vbroadcast v53, $0x0;
	[tilespmem:s12+$0x8080] =	vst v57;
	v22 =	vsub.f32 v15, v22  }
0x8c: {  	v29 =	vld [tilespmem:s30+$0x3050];
	[tilespmem:s12+$0x8180] =	vst v61  }
0x8d: {  	v24 =	vsub.f32 v10, v54;
	v62 =	vld [tilespmem:s31+$0x60];
	[tilespmem:s28+$0x8050] =	vst v22;
	v22 =	vmul.f32 v23, v16  }
0x8e: {  	s13 =	sand.u32 $0x3FFFFE00, s13;
	v33 =	vadd.f32 v58, v10;
	v32 =	vld [tilespmem:s2+$0x10]  }
0x8f: {  	[tilespmem:s13+$0x8000] =	vst v24;
	v34 =	vld [tilespmem:s2+$0x1010];
	v30 =	vsub.f32 v22, v56  }
0x90: {  	[tilespmem:s13+$0x8100] =	vst v33;
	v35 =	vld [tilespmem:s2+$0x2010];
	v27 =	vadd.f32 v60, v22  }
0x91: {  	v37 =	vld [tilespmem:s2+$0x3010];
	v26 =	vsub.f32 v19, v47;
	[tilespmem:s13+$0x8080] =	vst v30  }
0x92: {  	v63 =	vld [tilespmem:s31+$0x1060];
	v36 =	vadd.f32 v28, v15;
	[tilespmem:s13+$0x8180] =	vst v27  }
0x93: {  	[tilespmem:s28+$0x80D0] =	vst v26;
	v39 =	vsub.f32 v11, v32;
	v27 =	vld [tilespmem:s1+$0x10]  }
0x94: {  	[tilespmem:s28+$0x8150] =	vst v36;
	v41 =	vsub.f32 v21, v34;
	v40 =	vld [tilespmem:s1+$0x1010]  }
0x95: {  	v43 =	vadd.f32 v35, v11;
	[tilespmem:s12+$0x8010] =	vst v39;
	v42 =	vld [tilespmem:s1+$0x2010]  }
0x96: {  	v46 =	vadd.f32 v37, v21;
	[tilespmem:s12+$0x8090] =	vst v41;
	v44 =	vld [tilespmem:s1+$0x3010]  }
0x97: {  	v45 =	vld [tilespmem:s31+$0x2060];
	v38 =	vadd.f32 v29, v19;
	[tilespmem:s12+$0x8110] =	vst v43  }
0x98: {  	v47 =	vld [tilespmem:s31+$0x3060];
	[tilespmem:s12+$0x8190] =	vst v46;
	v48 =	vsub.f32 v11, v27  }
0x99: {  	[tilespmem:s28+$0x81D0] =	vst v38;
	v51 =	vld [tilespmem:s2+$0x20];
	v50 =	vsub.f32 v22, v40  }
0x9a: {  	v53 =	vld [tilespmem:s2+$0x1020];
	v52 =	vadd.f32 v42, v11;
	[tilespmem:s13+$0x8010] =	vst v48  }
0x9b: {  	v55 =	vld [tilespmem:s2+$0x2020];
	v54 =	vadd.f32 v44, v22;
	[tilespmem:s13+$0x8090] =	vst v50  }
0x9c: {  	v56 =	vld [tilespmem:s2+$0x3020];
	[tilespmem:s13+$0x8110] =	vst v52  }
0x9d: {  	v49 =	vld [tilespmem:s30+$0x60];
	v25 =	vsub.f32 v20, v63;
	[tilespmem:s13+$0x8190] =	vst v54  }
0x9e: {  	v57 =	vsub.f32 v12, v51;
	v26 =	vld [tilespmem:s1+$0x20]  }
0x9f: {  	[tilespmem:s29+$0x80E0] =	vst v25;
	v59 =	vsub.f32 v21, v53;
	v58 =	vld [tilespmem:s1+$0x1020]  }
0xa0: {  	v61 =	vadd.f32 v55, v12;
	[tilespmem:s12+$0x8020] =	vst v57;
	v60 =	vld [tilespmem:s1+$0x2020]  }
0xa1: {  	v23 =	vsub.f32 v17, v62;
	v24 =	vadd.f32 v56, v21;
	[tilespmem:s12+$0x80A0] =	vst v59;
	v62 =	vld [tilespmem:s1+$0x3020]  }
0xa2: {  	v63 =	vld [tilespmem:s30+$0x1060];
	[tilespmem:s12+$0x8120] =	vst v61  }
0xa3: {  	v25 =	vld [tilespmem:s30+$0x2060];
	[tilespmem:s12+$0x81A0] =	vst v24;
	v35 =	vsub.f32 v12, v26  }
0xa4: {  	[tilespmem:s29+$0x8060] =	vst v23;
	v37 =	vld [tilespmem:s2+$0x30];
	v36 =	vsub.f32 v22, v58  }
0xa5: {  	v39 =	vld [tilespmem:s2+$0x1030];
	v38 =	vadd.f32 v60, v12;
	[tilespmem:s13+$0x8020] =	vst v35  }
0xa6: {  	v42 =	vld [tilespmem:s2+$0x2030];
	v40 =	vadd.f32 v62, v22;
	[tilespmem:s13+$0x80A0] =	vst v36  }
0xa7: {  	v41 =	vadd.f32 v45, v17;
	v44 =	vld [tilespmem:s2+$0x3030];
	[tilespmem:s13+$0x8120] =	vst v38  }
0xa8: {  	v43 =	vadd.f32 v47, v20;
	v26 =	vld [tilespmem:s30+$0x3060];
	[tilespmem:s13+$0x81A0] =	vst v40  }
0xa9: {  	[tilespmem:s29+$0x8160] =	vst v41;
	v45 =	vsub.f32 v17, v49;
	v46 =	vld [tilespmem:s1+$0x30]  }
0xaa: {  	[tilespmem:s29+$0x81E0] =	vst v43;
	v47 =	vsub.f32 v13, v37;
	v48 =	vld [tilespmem:s1+$0x1030]  }
0xab: {  	[tilespmem:s28+$0x8060] =	vst v45;
	v49 =	vsub.f32 v21, v39;
	v50 =	vld [tilespmem:s1+$0x2030]  }
0xac: {  	v51 =	vadd.f32 v42, v13;
	[tilespmem:s12+$0x8030] =	vst v47;
	v52 =	vld [tilespmem:s1+$0x3030]  }
0xad: {  	v53 =	vadd.f32 v44, v21;
	[tilespmem:s12+$0x80B0] =	vst v49  }
0xae: {  	v32 =	vld [tilespmem:s31+$0x2070];
	[tilespmem:s12+$0x8130] =	vst v51;
	v55 =	vsub.f32 v13, v46  }
0xaf: {  	v56 =	vld [tilespmem:s31+$0x1070];
	[tilespmem:s12+$0x81B0] =	vst v53;
	v57 =	vsub.f32 v22, v48  }
0xb0: {  	v58 =	vld [tilespmem:s2+$0x40];
	v59 =	vadd.f32 v50, v13;
	[tilespmem:s13+$0x8030] =	vst v55  }
0xb1: {  	v60 =	vld [tilespmem:s2+$0x1040];
	v61 =	vadd.f32 v52, v22;
	[tilespmem:s13+$0x80B0] =	vst v57  }
0xb2: {  	v62 =	vsub.f32 v19, v63;
	v63 =	vld [tilespmem:s2+$0x2040];
	[tilespmem:s13+$0x8130] =	vst v59  }
0xb3: {  	v36 =	vadd.f32 v25, v17;
	v37 =	vld [tilespmem:s2+$0x3040];
	[tilespmem:s13+$0x81B0] =	vst v61  }
0xb4: {  	[tilespmem:s28+$0x80E0] =	vst v62;
	v38 =	vadd.f32 v26, v19;
	v39 =	vld [tilespmem:s1+$0x40]  }
0xb5: {  	[tilespmem:s28+$0x8160] =	vst v36;
	v40 =	vsub.f32 v14, v58;
	v41 =	vld [tilespmem:s1+$0x1040]  }
0xb6: {  	[tilespmem:s28+$0x81E0] =	vst v38;
	v42 =	vsub.f32 v21, v60;
	v43 =	vld [tilespmem:s1+$0x2040]  }
0xb7: {  	v44 =	vadd.f32 v63, v14;
	[tilespmem:s12+$0x8040] =	vst v40;
	v45 =	vld [tilespmem:s1+$0x3040]  }
0xb8: {  	v54 =	vld [tilespmem:s31+$0x70];
	v46 =	vadd.f32 v37, v21;
	[tilespmem:s12+$0x80C0] =	vst v42  }
0xb9: {  	v25 =	vld [tilespmem:s31+$0x3070];
	[tilespmem:s12+$0x8140] =	vst v44;
	v47 =	vsub.f32 v14, v39  }
0xba: {  	v26 =	vld [tilespmem:s30+$0x70];
	[tilespmem:s12+$0x81C0] =	vst v46;
	v48 =	vsub.f32 v22, v41  }
0xbb: {  	v49 =	vld [tilespmem:s2+$0x50];
	v50 =	vadd.f32 v43, v14;
	[tilespmem:s13+$0x8040] =	vst v47  }
0xbc: {  	v51 =	vld [tilespmem:s2+$0x1050];
	v52 =	vadd.f32 v45, v22;
	[tilespmem:s13+$0x80C0] =	vst v48  }
0xbd: {  	v53 =	vld [tilespmem:s2+$0x2050];
	[tilespmem:s13+$0x8140] =	vst v50  }
0xbe: {  	v54 =	vsub.f32 v18, v54;
	v55 =	vld [tilespmem:s2+$0x3050];
	[tilespmem:s13+$0x81C0] =	vst v52  }
0xbf: {  	v56 =	vsub.f32 v20, v56;
	v57 =	vld [tilespmem:s1+$0x50]  }
0xc0: {  	[tilespmem:s29+$0x8070] =	vst v54;
	v58 =	vsub.f32 v15, v49;
	v59 =	vld [tilespmem:s1+$0x1050]  }
0xc1: {  	[tilespmem:s29+$0x80F0] =	vst v56;
	v60 =	vsub.f32 v21, v51;
	v61 =	vld [tilespmem:s1+$0x2050]  }
0xc2: {  	v62 =	vadd.f32 v53, v15;
	[tilespmem:s12+$0x8050] =	vst v58;
	v63 =	vld [tilespmem:s1+$0x3050]  }
0xc3: {  	v36 =	vld [tilespmem:s30+$0x1070];
	v37 =	vadd.f32 v55, v21;
	[tilespmem:s12+$0x80D0] =	vst v60  }
0xc4: {  	v38 =	vld [tilespmem:s30+$0x2070];
	[tilespmem:s12+$0x8150] =	vst v62;
	v39 =	vsub.f32 v15, v57  }
0xc5: {  	v40 =	vld [tilespmem:s30+$0x3070];
	[tilespmem:s12+$0x81D0] =	vst v37;
	v41 =	vsub.f32 v22, v59  }
0xc6: {  	v42 =	vld [tilespmem:s2+$0x60];
	v43 =	vadd.f32 v61, v15;
	[tilespmem:s13+$0x8050] =	vst v39  }
0xc7: {  	v44 =	vld [tilespmem:s2+$0x1060];
	v45 =	vadd.f32 v63, v22;
	[tilespmem:s13+$0x80D0] =	vst v41  }
0xc8: {  	v20 =	vadd.f32 v25, v20;
	v47 =	vld [tilespmem:s2+$0x2060];
	[tilespmem:s13+$0x8150] =	vst v43  }
0xc9: {  	v46 =	vadd.f32 v32, v18;
	v48 =	vld [tilespmem:s2+$0x3060];
	[tilespmem:s13+$0x81D0] =	vst v45  }
0xca: {  	[tilespmem:s29+$0x81F0] =	vst v20;
	v26 =	vsub.f32 v18, v26;
	v30 =	vld [tilespmem:s1+$0x60]  }
0xcb: {  	[tilespmem:s29+$0x8170] =	vst v46;
	v20 =	vsub.f32 v17, v42;
	v49 =	vld [tilespmem:s1+$0x1060]  }
0xcc: {  	[tilespmem:s28+$0x8070] =	vst v26;
	v24 =	vsub.f32 v21, v44;
	v51 =	vld [tilespmem:s1+$0x3060]  }
0xcd: {  	[tilespmem:s12+$0x8060] =	vst v20;
	v20 =	vadd.f32 v47, v17;
	v50 =	vld [tilespmem:s1+$0x2060]  }
0xce: {  	v52 =	vadd.f32 v48, v21;
	[tilespmem:s12+$0x80E0] =	vst v24  }
0xcf: {  	[tilespmem:s12+$0x8160] =	vst v20;
	v20 =	vsub.f32 v17, v30  }
0xd0: {  	[tilespmem:s12+$0x81E0] =	vst v52;
	v23 =	vsub.f32 v22, v49  }
0xd1: {  	v24 =	vld [tilespmem:s2+$0x70];
	v54 =	vadd.f32 v51, v22;
	[tilespmem:s13+$0x8060] =	vst v20  }
0xd2: {  	v53 =	vld [tilespmem:s2+$0x1070];
	v20 =	vadd.f32 v50, v17;
	[tilespmem:s13+$0x80E0] =	vst v23  }
0xd3: {  	v55 =	vsub.f32 v19, v36;
	v56 =	vld [tilespmem:s2+$0x2070];
	[tilespmem:s13+$0x81E0] =	vst v54  }
0xd4: {  	v19 =	vadd.f32 v40, v19;
	[tilespmem:s13+$0x8160] =	vst v20;
	v20 =	vld [tilespmem:s2+$0x3070]  }
0xd5: {  	[tilespmem:s28+$0x80F0] =	vst v55;
	v57 =	vadd.f32 v38, v18;
	v58 =	vld [tilespmem:s1+$0x70]  }
0xd6: {  	[tilespmem:s28+$0x81F0] =	vst v19;
	v59 =	vsub.f32 v18, v24;
	v60 =	vld [tilespmem:s1+$0x1070]  }
0xd7: {  	[tilespmem:s28+$0x8170] =	vst v57;
	v19 =	vsub.f32 v21, v53;
	v61 =	vld [tilespmem:s1+$0x2070]  }
0xd8: {  	v63 =	vadd.f32 v56, v18;
	[tilespmem:s12+$0x8070] =	vst v59;
	v62 =	vld [tilespmem:s1+$0x3070]  }
0xd9: {  	[tilespmem:s12+$0x80F0] =	vst v19;
	v19 =	vadd.f32 v20, v21  }
0xda: {  	p0 =	slt.u32 s26, $0x1C;
	[tilespmem:s12+$0x8170] =	vst v63;
	v20 =	vsub.f32 v18, v58  }
.Ltmp0:
0xdb: {  	[tilespmem:s12+$0x81F0] =	vst v19;
	v19 =	vsub.f32 v22, v60;
	(pc) =	sbr.rel @p0 .LBB2_3-.Ltmp0, $4  }
0xdc: {  	[tilespmem:s13+$0x8070] =	vst v20;
	v20 =	vadd.f32 v61, v18  }
0xdd: {  	[tilespmem:s13+$0x80F0] =	vst v19;
	v19 =	vadd.f32 v62, v22  }
0xde: {  	s31 =	sadd.s32 $0x4, s26;
	[tilespmem:s13+$0x8170] =	vst v20  }
0xdf: {  	s26 =	smov.u32 s31;
	[tilespmem:s13+$0x81F0] =	vst v19  }
0xe0: {  	p0 =	seq.s32 s21, $0x3  }
0xe1: {  	s1 =	sadd.s32 @!p0 $0x2, s22  }
0xe2: {  	s2 =	sshrl.u32 @!p0 s1, $0x2;
	s1 =	sshll.u32 @!p0 s1, $0x9  }
0xe3: {  	s31 =	sshll.u32 s24, $0xB;
	s2 =	sadd.s32 @!p0 s5, s2;
	s1 =	sand.u32 @!p0 $0x400, s1  }
0xe4: {  	s12 =	simm.s32 @!p0 $0x4000;
	s2 =	sshll.u32 @!p0 s2, $0xD;
	s1 =	sadd.s32 @!p0 s0, s1  }
0xe5: {  	s13 =	simm.s32 @!p0 $0x0;
	s1 =	sadd.s32 @!p0 s2, s1;
	s2 =	simm.s32 @!p0 $0x1000  }
0xe6: {  	[tilespmem:s13], [sflag:$0x1] =	stream.strided.gather @!p0 [hbm4b:s1+s2], $0x4000, s12, s2, $0x38;
	[tilespmem:$0x12000] =	vst v63  }
0xe7: {  	s23 =	sshll.u32 s23, $0xD;
	s1 =	sadd.s32 s3, s31  }
0xe8: {  	s1 =	sadd.s32 s23, s1  }
0xe9: {  	[hbm4b:s1+s4] =	stream.linear.scatter [tilespmem:s15], [sflag:$0x3], $0x4000, $0x38;
	[tilespmem:$0x12000] =	vst v63  }
0xea: {  	s1 =	simm.s32 @!p1 $0x4  }
0xeb: {  	_ =	swait.ge @!p1 [sflag:s1], $0x4000  }
0xec: {  	[sflag:s1] =	ssyncset.done @!p1 $0x0  }
0xed: {  	[sflag:s1] =	ssyncadd.s32 @!p1 $0xFFFFC000  }
0xee: {  	_ =	swait.ge [sflag:s16], $0x4000  }
0xef: {  	[sflag:s16] =	ssyncset.done $0x0  }
0xf0: {  	[sflag:s16] =	ssyncadd.s32 $0xFFFFC000  }
0xf1: {  	v16 =	vld.idx.msk [tilespmem:v9+s10+$0x0], $0xffff;
	_ =	sdelay $0x4  }
0xf2: {  	v9 =	vmul.f32 v0, v16;
	v10 =	vmul.f32 v1, v16  }
0xf3: {  	v11 =	vmul.f32 v2, v16;
	v12 =	vmul.f32 v3, v16  }
0xf4: {  	s24 =	sor.u32 $0x1, s24;
	v13 =	vmul.f32 v4, v16;
	v14 =	vmul.f32 v5, v16  }
0xf5: {  	s26 =	simm.s32 $0x0;
	s25 =	sshll.u32 s24, $0x5;
	v8 =	vld.idx.msk [tilespmem:v8+s10+$0x0], $0xffff;
	v15 =	vmul.f32 v6, v16;
	v16 =	vmul.f32 v7, v16  }
.LBB2_5:
0xf6: {  	s1 =	sor.u32 s25, s26;
	s29 =	sshll.u32 s26, $0x9  }
0xf7: {  	v17 =	vmov s1;
	s31 =	sshra.s32 s29, $0x2  }
0xf8: {  	v17 =	vcvt.s32.f32 v17;
	v19 =	vld [tilespmem:s31+$0x4000];
	_ =	sdelay $0x1  }
0xf9: {  	s2 =	sor.u32 $0x1, s26;
	v21 =	vld [tilespmem:s31+$0x6000];
	v17 =	vadd.f32 $5.000000000e-01, v17  }
0xfa: {  	s12 =	sor.u32 s25, s2;
	s2 =	sshll.u32 s2, $0x9;
	v20 =	vld [tilespmem:s31+$0x5000]  }
0xfb: {  	v18 =	vmov s12;
	v23 =	vld [tilespmem:s31+$0x7000];
	s30 =	sshra.s32 s2, $0x2;
	v17 =	vbroadcast v17, $0x0  }
0xfc: {  	v22 =	vcvt.s32.f32 v18;
	v51 =	vld [tilespmem:s30+$0x4000];
	v19 =	vsub.f32 v9, v19  }
0xfd: {  	s29 =	sand.u32 $0x3FFFFE00, s29;
	v18 =	vmul.f32 v17, v8  }
0xfe: {  	v25 =	vld [tilespmem:s30+$0x6000];
	v17 =	vadd.f32 $5.000000000e-01, v22;
	[tilespmem:s29+$0xC000] =	vst v19;
	v19 =	vadd.f32 v21, v9  }
0xff: {  	v24 =	vld [tilespmem:s30+$0x5000];
	v20 =	vsub.f32 v18, v20  }
0x100: {  	v52 =	vld [tilespmem:s30+$0x7000];
	v17 =	vbroadcast v17, $0x0;
	v53 =	vadd.f32 v23, v18;
	[tilespmem:s29+$0xC100] =	vst v19  }
0x101: {  	v19 =	vsub.f32 v9, v51;
	[tilespmem:s29+$0xC080] =	vst v20  }
0x102: {  	s28 =	sand.u32 $0x3FFFFE00, s2;
	v17 =	vmul.f32 v17, v8;
	[tilespmem:s29+$0xC180] =	vst v53  }
0x103: {  	[tilespmem:s28+$0xC000] =	vst v19;
	v19 =	vadd.f32 v25, v9  }
0x104: {  	v55 =	vld [tilespmem:s31+$0x4010];
	v54 =	vsub.f32 v17, v24  }
0x105: {  	v56 =	vld [tilespmem:s31+$0x5010];
	v57 =	vadd.f32 v52, v17;
	[tilespmem:s28+$0xC100] =	vst v19  }
0x106: {  	v58 =	vld [tilespmem:s31+$0x6010];
	[tilespmem:s28+$0xC080] =	vst v54  }
0x107: {  	v19 =	vld [tilespmem:s31+$0x7010];
	[tilespmem:s28+$0xC180] =	vst v57  }
0x108: {  	v20 =	vld [tilespmem:s30+$0x4010]  }
0x109: {  	v59 =	vld [tilespmem:s30+$0x5010];
	v22 =	vsub.f32 v10, v55  }
0x10a: {  	v60 =	vld [tilespmem:s30+$0x6010];
	v23 =	vsub.f32 v18, v56  }
0x10b: {  	v61 =	vld [tilespmem:s30+$0x7010];
	v21 =	vadd.f32 v58, v10;
	[tilespmem:s29+$0xC010] =	vst v22  }
0x10c: {  	[tilespmem:s29+$0xC090] =	vst v23;
	v19 =	vadd.f32 v19, v18  }
0x10d: {  	[tilespmem:s29+$0xC110] =	vst v21;
	v20 =	vsub.f32 v10, v20  }
0x10e: {  	[tilespmem:s29+$0xC190] =	vst v19;
	v19 =	vsub.f32 v17, v59  }
0x10f: {  	v62 =	vadd.f32 v60, v10;
	v21 =	vld [tilespmem:s31+$0x4020];
	[tilespmem:s28+$0xC010] =	vst v20  }
0x110: {  	v23 =	vld [tilespmem:s31+$0x5020];
	[tilespmem:s28+$0xC090] =	vst v19;
	v19 =	vadd.f32 v61, v17  }
0x111: {  	v63 =	vld [tilespmem:s31+$0x6020];
	[tilespmem:s28+$0xC110] =	vst v62  }
0x112: {  	v28 =	vld [tilespmem:s31+$0x7020];
	[tilespmem:s28+$0xC190] =	vst v19  }
0x113: {  	v19 =	vld [tilespmem:s30+$0x4020]  }
0x114: {  	v29 =	vld [tilespmem:s30+$0x5020];
	v21 =	vsub.f32 v11, v21  }
0x115: {  	v32 =	vld [tilespmem:s30+$0x7020];
	v23 =	vsub.f32 v18, v23  }
0x116: {  	v30 =	vld [tilespmem:s30+$0x6020];
	v31 =	vadd.f32 v63, v11;
	[tilespmem:s29+$0xC020] =	vst v21  }
0x117: {  	v20 =	vadd.f32 v28, v18;
	[tilespmem:s29+$0xC0A0] =	vst v23  }
0x118: {  	[tilespmem:s29+$0xC120] =	vst v31;
	v19 =	vsub.f32 v11, v19  }
0x119: {  	[tilespmem:s29+$0xC1A0] =	vst v20;
	v33 =	vsub.f32 v17, v29  }
0x11a: {  	v21 =	vld [tilespmem:s31+$0x4030];
	v34 =	vadd.f32 v32, v17;
	[tilespmem:s28+$0xC020] =	vst v19  }
0x11b: {  	v23 =	vld [tilespmem:s31+$0x5030];
	v19 =	vadd.f32 v30, v11;
	[tilespmem:s28+$0xC0A0] =	vst v33  }
0x11c: {  	v35 =	vld [tilespmem:s31+$0x6030];
	[tilespmem:s28+$0xC1A0] =	vst v34  }
0x11d: {  	[tilespmem:s28+$0xC120] =	vst v19;
	v19 =	vld [tilespmem:s31+$0x7030]  }
0x11e: {  	v20 =	vld [tilespmem:s30+$0x4030]  }
0x11f: {  	v21 =	vsub.f32 v12, v21;
	v36 =	vld [tilespmem:s30+$0x5030]  }
0x120: {  	v23 =	vsub.f32 v18, v23;
	v37 =	vld [tilespmem:s30+$0x6030]  }
0x121: {  	s12 =	sor.u32 $0x2, s26;
	v38 =	vadd.f32 v35, v12;
	v39 =	vld [tilespmem:s30+$0x7030];
	[tilespmem:s29+$0xC030] =	vst v21  }
0x122: {  	s13 =	sor.u32 s25, s12;
	s12 =	sshll.u32 s12, $0x9;
	[tilespmem:s29+$0xC0B0] =	vst v23;
	v19 =	vadd.f32 v19, v18  }
0x123: {  	s2 =	sshra.s32 s12, $0x2;
	[tilespmem:s29+$0xC130] =	vst v38;
	v20 =	vsub.f32 v12, v20  }
0x124: {  	v54 =	vld [tilespmem:s2+$0x6000];
	[tilespmem:s29+$0xC1B0] =	vst v19;
	v19 =	vsub.f32 v17, v36  }
0x125: {  	v40 =	vadd.f32 v37, v12;
	v21 =	vld [tilespmem:s31+$0x4040];
	[tilespmem:s28+$0xC030] =	vst v20  }
0x126: {  	v23 =	vld [tilespmem:s31+$0x5040];
	[tilespmem:s28+$0xC0B0] =	vst v19;
	v19 =	vadd.f32 v39, v17  }
0x127: {  	v41 =	vld [tilespmem:s31+$0x6040];
	[tilespmem:s28+$0xC130] =	vst v40  }
0x128: {  	v42 =	vld [tilespmem:s31+$0x7040];
	[tilespmem:s28+$0xC1B0] =	vst v19  }
0x129: {  	v19 =	vld [tilespmem:s30+$0x4040]  }
0x12a: {  	v43 =	vld [tilespmem:s30+$0x5040];
	v21 =	vsub.f32 v13, v21  }
0x12b: {  	v46 =	vld [tilespmem:s30+$0x7040];
	v23 =	vsub.f32 v18, v23  }
0x12c: {  	v44 =	vld [tilespmem:s30+$0x6040];
	v45 =	vadd.f32 v41, v13;
	[tilespmem:s29+$0xC040] =	vst v21  }
0x12d: {  	v28 =	vld [tilespmem:s2+$0x4000];
	v20 =	vadd.f32 v42, v18;
	[tilespmem:s29+$0xC0C0] =	vst v23  }
0x12e: {  	v31 =	vld [tilespmem:s2+$0x7000];
	[tilespmem:s29+$0xC140] =	vst v45;
	v19 =	vsub.f32 v13, v19  }
0x12f: {  	v29 =	vld [tilespmem:s2+$0x5000];
	[tilespmem:s29+$0xC1C0] =	vst v20;
	v47 =	vsub.f32 v17, v43  }
0x130: {  	v21 =	vld [tilespmem:s31+$0x4050];
	v48 =	vadd.f32 v46, v17;
	[tilespmem:s28+$0xC040] =	vst v19  }
0x131: {  	s1 =	sor.u32 $0x3, s26;
	v51 =	vmov s13;
	v23 =	vld [tilespmem:s31+$0x5050];
	v19 =	vadd.f32 v44, v13;
	[tilespmem:s28+$0xC0C0] =	vst v47  }
0x132: {  	s13 =	sor.u32 s25, s1;
	v25 =	vcvt.s32.f32 v51;
	v49 =	vld [tilespmem:s31+$0x6050];
	[tilespmem:s28+$0xC1C0] =	vst v48  }
0x133: {  	v62 =	vadd.f32 v54, v9;
	v30 =	vmov s13;
	s13 =	sshll.u32 s1, $0x9;
	[tilespmem:s28+$0xC140] =	vst v19;
	v19 =	vld [tilespmem:s31+$0x7050]  }
0x134: {  	s12 =	sand.u32 $0x3FFFFE00, s12;
	v25 =	vadd.f32 $5.000000000e-01, v25;
	v58 =	vsub.f32 v9, v28;
	s1 =	sshra.s32 s13, $0x2;
	v20 =	vld [tilespmem:s30+$0x4050]  }
0x135: {  	[tilespmem:s12+$0xC100] =	vst v62;
	v57 =	vld [tilespmem:s1+$0x4000];
	v21 =	vsub.f32 v14, v21  }
0x136: {  	v53 =	vbroadcast v25, $0x0;
	v30 =	vcvt.s32.f32 v30;
	[tilespmem:s12+$0xC000] =	vst v58;
	v59 =	vld [tilespmem:s1+$0x5000];
	v23 =	vsub.f32 v18, v23  }
0x137: {  	v61 =	vld [tilespmem:s1+$0x6000];
	v52 =	vadd.f32 v49, v14;
	[tilespmem:s29+$0xC050] =	vst v21  }
0x138: {  	v63 =	vld [tilespmem:s1+$0x7000];
	v56 =	vadd.f32 $5.000000000e-01, v30;
	[tilespmem:s29+$0xC0D0] =	vst v23;
	v55 =	vadd.f32 v19, v18;
	v19 =	vmul.f32 v53, v8  }
0x139: {  	v50 =	vld [tilespmem:s30+$0x5050];
	[tilespmem:s29+$0xC150] =	vst v52;
	v20 =	vsub.f32 v14, v20  }
0x13a: {  	v26 =	vld [tilespmem:s30+$0x6050];
	v21 =	vbroadcast v56, $0x0;
	[tilespmem:s29+$0xC1D0] =	vst v55;
	v60 =	vsub.f32 v19, v29  }
0x13b: {  	v27 =	vld [tilespmem:s30+$0x7050];
	v33 =	vadd.f32 v31, v19;
	[tilespmem:s28+$0xC050] =	vst v20  }
0x13c: {  	v22 =	vsub.f32 v9, v57;
	v20 =	vmul.f32 v21, v8;
	v34 =	vld [tilespmem:s31+$0x4060];
	[tilespmem:s12+$0xC080] =	vst v60  }
0x13d: {  	s13 =	sand.u32 $0x3FFFFE00, s13;
	v36 =	vadd.f32 v61, v9;
	v35 =	vld [tilespmem:s31+$0x5060];
	[tilespmem:s12+$0xC180] =	vst v33  }
0x13e: {  	[tilespmem:s13+$0xC000] =	vst v22;
	v28 =	vsub.f32 v20, v59;
	v30 =	vld [tilespmem:s2+$0x4010]  }
0x13f: {  	[tilespmem:s13+$0xC100] =	vst v36;
	v37 =	vld [tilespmem:s2+$0x5010];
	v25 =	vadd.f32 v63, v20  }
0x140: {  	v24 =	vsub.f32 v17, v50;
	v38 =	vld [tilespmem:s2+$0x6010];
	[tilespmem:s13+$0xC080] =	vst v28  }
0x141: {  	v39 =	vadd.f32 v26, v14;
	v40 =	vld [tilespmem:s2+$0x7010];
	[tilespmem:s13+$0xC180] =	vst v25  }
0x142: {  	v41 =	vadd.f32 v27, v17;
	[tilespmem:s28+$0xC0D0] =	vst v24;
	v25 =	vld [tilespmem:s1+$0x4010]  }
0x143: {  	[tilespmem:s28+$0xC150] =	vst v39;
	v43 =	vld [tilespmem:s1+$0x5010];
	v42 =	vsub.f32 v10, v30  }
0x144: {  	[tilespmem:s28+$0xC1D0] =	vst v41;
	v45 =	vld [tilespmem:s1+$0x6010];
	v44 =	vsub.f32 v19, v37  }
0x145: {  	v47 =	vld [tilespmem:s1+$0x7010];
	v46 =	vadd.f32 v38, v10;
	[tilespmem:s12+$0xC010] =	vst v42  }
0x146: {  	v48 =	vld [tilespmem:s31+$0x6060];
	v49 =	vadd.f32 v40, v19;
	[tilespmem:s12+$0xC090] =	vst v44  }
0x147: {  	v50 =	vld [tilespmem:s31+$0x7060];
	[tilespmem:s12+$0xC110] =	vst v46;
	v51 =	vsub.f32 v10, v25  }
0x148: {  	v52 =	vld [tilespmem:s30+$0x4060];
	[tilespmem:s12+$0xC190] =	vst v49;
	v53 =	vsub.f32 v20, v43  }
0x149: {  	v54 =	vld [tilespmem:s2+$0x4020];
	v55 =	vadd.f32 v45, v10;
	[tilespmem:s13+$0xC010] =	vst v51  }
0x14a: {  	v56 =	vld [tilespmem:s2+$0x5020];
	v57 =	vadd.f32 v47, v20;
	[tilespmem:s13+$0xC090] =	vst v53  }
0x14b: {  	v58 =	vld [tilespmem:s2+$0x6020];
	[tilespmem:s13+$0xC110] =	vst v55  }
0x14c: {  	v21 =	vsub.f32 v15, v34;
	v59 =	vld [tilespmem:s2+$0x7020];
	[tilespmem:s13+$0xC190] =	vst v57  }
0x14d: {  	v23 =	vsub.f32 v18, v35;
	v24 =	vld [tilespmem:s1+$0x4020]  }
0x14e: {  	[tilespmem:s29+$0xC060] =	vst v21;
	v61 =	vld [tilespmem:s1+$0x5020];
	v60 =	vsub.f32 v11, v54  }
0x14f: {  	[tilespmem:s29+$0xC0E0] =	vst v23;
	v63 =	vld [tilespmem:s1+$0x6020];
	v62 =	vsub.f32 v19, v56  }
0x150: {  	v34 =	vld [tilespmem:s1+$0x7020];
	v33 =	vadd.f32 v58, v11;
	[tilespmem:s12+$0xC020] =	vst v60  }
0x151: {  	v36 =	vld [tilespmem:s30+$0x6060];
	v22 =	vadd.f32 v59, v19;
	[tilespmem:s12+$0xC0A0] =	vst v62  }
0x152: {  	v35 =	vld [tilespmem:s30+$0x5060];
	[tilespmem:s12+$0xC120] =	vst v33;
	v37 =	vsub.f32 v11, v24  }
0x153: {  	v38 =	vld [tilespmem:s30+$0x7060];
	[tilespmem:s12+$0xC1A0] =	vst v22;
	v39 =	vsub.f32 v20, v61  }
0x154: {  	v40 =	vld [tilespmem:s2+$0x4030];
	v41 =	vadd.f32 v63, v11;
	[tilespmem:s13+$0xC020] =	vst v37  }
0x155: {  	v42 =	vld [tilespmem:s2+$0x5030];
	v43 =	vadd.f32 v34, v20;
	[tilespmem:s13+$0xC0A0] =	vst v39  }
0x156: {  	v36 =	vadd.f32 v36, v15;
	v45 =	vld [tilespmem:s2+$0x6030];
	[tilespmem:s13+$0xC120] =	vst v41  }
0x157: {  	v44 =	vadd.f32 v48, v15;
	v47 =	vld [tilespmem:s2+$0x7030];
	[tilespmem:s13+$0xC1A0] =	vst v43  }
0x158: {  	[tilespmem:s28+$0xC160] =	vst v36;
	v46 =	vadd.f32 v50, v18;
	v49 =	vld [tilespmem:s1+$0x4030]  }
0x159: {  	[tilespmem:s29+$0xC160] =	vst v44;
	v51 =	vld [tilespmem:s1+$0x5030];
	v50 =	vsub.f32 v12, v40  }
0x15a: {  	v48 =	vsub.f32 v15, v52;
	[tilespmem:s29+$0xC1E0] =	vst v46;
	v53 =	vld [tilespmem:s1+$0x6030];
	v52 =	vsub.f32 v19, v42  }
0x15b: {  	v55 =	vld [tilespmem:s1+$0x7030];
	v54 =	vadd.f32 v45, v12;
	[tilespmem:s12+$0xC030] =	vst v50  }
0x15c: {  	v56 =	vadd.f32 v47, v19;
	[tilespmem:s12+$0xC0B0] =	vst v52  }
0x15d: {  	v57 =	vld [tilespmem:s31+$0x4070];
	[tilespmem:s12+$0xC130] =	vst v54;
	v58 =	vsub.f32 v12, v49  }
0x15e: {  	v46 =	vld [tilespmem:s31+$0x6070];
	[tilespmem:s12+$0xC1B0] =	vst v56;
	v60 =	vsub.f32 v20, v51  }
0x15f: {  	v61 =	vld [tilespmem:s2+$0x4040];
	v62 =	vadd.f32 v53, v12;
	[tilespmem:s13+$0xC030] =	vst v58  }
0x160: {  	v63 =	vld [tilespmem:s2+$0x5040];
	v33 =	vadd.f32 v55, v20;
	[tilespmem:s13+$0xC0B0] =	vst v60  }
0x161: {  	v34 =	vsub.f32 v17, v35;
	v35 =	vld [tilespmem:s2+$0x6040];
	[tilespmem:s13+$0xC130] =	vst v62  }
0x162: {  	v38 =	vadd.f32 v38, v17;
	v37 =	vld [tilespmem:s2+$0x7040];
	[tilespmem:s13+$0xC1B0] =	vst v33  }
0x163: {  	[tilespmem:s28+$0xC060] =	vst v48;
	v39 =	vld [tilespmem:s1+$0x4040]  }
0x164: {  	[tilespmem:s28+$0xC1E0] =	vst v38;
	v41 =	vld [tilespmem:s1+$0x5040];
	v40 =	vsub.f32 v13, v61  }
0x165: {  	[tilespmem:s28+$0xC0E0] =	vst v34;
	v43 =	vld [tilespmem:s1+$0x6040];
	v42 =	vsub.f32 v19, v63  }
0x166: {  	v45 =	vld [tilespmem:s1+$0x7040];
	v44 =	vadd.f32 v35, v13;
	[tilespmem:s12+$0xC040] =	vst v40  }
0x167: {  	v48 =	vld [tilespmem:s31+$0x7070];
	v47 =	vadd.f32 v37, v19;
	[tilespmem:s12+$0xC0C0] =	vst v42  }
0x168: {  	v59 =	vld [tilespmem:s31+$0x5070];
	[tilespmem:s12+$0xC140] =	vst v44;
	v49 =	vsub.f32 v13, v39  }
0x169: {  	v36 =	vld [tilespmem:s30+$0x5070];
	[tilespmem:s12+$0xC1C0] =	vst v47;
	v51 =	vsub.f32 v20, v41  }
0x16a: {  	v52 =	vld [tilespmem:s2+$0x4050];
	v53 =	vadd.f32 v43, v13;
	[tilespmem:s13+$0xC040] =	vst v49  }
0x16b: {  	v54 =	vld [tilespmem:s2+$0x5050];
	v55 =	vadd.f32 v45, v20;
	[tilespmem:s13+$0xC0C0] =	vst v51  }
0x16c: {  	v56 =	vld [tilespmem:s2+$0x6050];
	[tilespmem:s13+$0xC140] =	vst v53  }
0x16d: {  	v57 =	vsub.f32 v16, v57;
	v58 =	vld [tilespmem:s2+$0x7050];
	[tilespmem:s13+$0xC1C0] =	vst v55  }
0x16e: {  	v46 =	vadd.f32 v46, v16;
	v60 =	vld [tilespmem:s1+$0x4050]  }
0x16f: {  	[tilespmem:s29+$0xC070] =	vst v57;
	v62 =	vld [tilespmem:s1+$0x5050];
	v61 =	vsub.f32 v14, v52  }
0x170: {  	[tilespmem:s29+$0xC170] =	vst v46;
	v33 =	vld [tilespmem:s1+$0x6050];
	v63 =	vsub.f32 v19, v54  }
0x171: {  	v35 =	vld [tilespmem:s1+$0x7050];
	v34 =	vadd.f32 v56, v14;
	[tilespmem:s12+$0xC050] =	vst v61  }
0x172: {  	v38 =	vld [tilespmem:s30+$0x6070];
	v37 =	vadd.f32 v58, v19;
	[tilespmem:s12+$0xC0D0] =	vst v63  }
0x173: {  	v50 =	vld [tilespmem:s30+$0x4070];
	[tilespmem:s12+$0xC150] =	vst v34;
	v39 =	vsub.f32 v14, v60  }
0x174: {  	v40 =	vld [tilespmem:s30+$0x7070];
	[tilespmem:s12+$0xC1D0] =	vst v37;
	v41 =	vsub.f32 v20, v62  }
0x175: {  	v42 =	vld [tilespmem:s2+$0x4060];
	v43 =	vadd.f32 v33, v14;
	[tilespmem:s13+$0xC050] =	vst v39  }
0x176: {  	v44 =	vld [tilespmem:s2+$0x5060];
	v45 =	vadd.f32 v35, v20;
	[tilespmem:s13+$0xC0D0] =	vst v41  }
0x177: {  	v59 =	vsub.f32 v18, v59;
	v18 =	vadd.f32 v48, v18;
	v48 =	vld [tilespmem:s2+$0x7060];
	[tilespmem:s13+$0xC150] =	vst v43  }
0x178: {  	v47 =	vld [tilespmem:s2+$0x6060];
	[tilespmem:s13+$0xC1D0] =	vst v45  }
0x179: {  	[tilespmem:s29+$0xC0F0] =	vst v59;
	v24 =	vsub.f32 v16, v50;
	v49 =	vld [tilespmem:s1+$0x5060]  }
0x17a: {  	[tilespmem:s29+$0xC1F0] =	vst v18;
	v28 =	vld [tilespmem:s1+$0x4060];
	v18 =	vsub.f32 v15, v42  }
0x17b: {  	[tilespmem:s28+$0xC070] =	vst v24;
	v51 =	vld [tilespmem:s1+$0x7060];
	v22 =	vsub.f32 v19, v44  }
0x17c: {  	v50 =	vld [tilespmem:s1+$0x6060];
	v52 =	vadd.f32 v48, v19;
	[tilespmem:s12+$0xC060] =	vst v18  }
0x17d: {  	v18 =	vadd.f32 v47, v15;
	[tilespmem:s12+$0xC0E0] =	vst v22  }
0x17e: {  	[tilespmem:s12+$0xC1E0] =	vst v52;
	v21 =	vsub.f32 v20, v49  }
0x17f: {  	[tilespmem:s12+$0xC160] =	vst v18;
	v18 =	vsub.f32 v15, v28  }
0x180: {  	v54 =	vadd.f32 v51, v20;
	v22 =	vld [tilespmem:s2+$0x4070];
	[tilespmem:s13+$0xC0E0] =	vst v21  }
0x181: {  	v53 =	vld [tilespmem:s2+$0x5070];
	[tilespmem:s13+$0xC060] =	vst v18;
	v18 =	vadd.f32 v50, v15  }
0x182: {  	v57 =	vadd.f32 v38, v16;
	v56 =	vld [tilespmem:s2+$0x6070];
	[tilespmem:s13+$0xC1E0] =	vst v54  }
0x183: {  	v55 =	vsub.f32 v17, v36;
	[tilespmem:s13+$0xC160] =	vst v18;
	v18 =	vld [tilespmem:s2+$0x7070]  }
0x184: {  	[tilespmem:s28+$0xC170] =	vst v57;
	v17 =	vadd.f32 v40, v17;
	v58 =	vld [tilespmem:s1+$0x4070]  }
0x185: {  	[tilespmem:s28+$0xC0F0] =	vst v55;
	v60 =	vld [tilespmem:s1+$0x5070];
	v59 =	vsub.f32 v16, v22  }
0x186: {  	[tilespmem:s28+$0xC1F0] =	vst v17;
	v61 =	vld [tilespmem:s1+$0x6070];
	v17 =	vsub.f32 v19, v53  }
0x187: {  	v62 =	vld [tilespmem:s1+$0x7070];
	v63 =	vadd.f32 v56, v16;
	[tilespmem:s12+$0xC070] =	vst v59  }
0x188: {  	[tilespmem:s12+$0xC0F0] =	vst v17;
	v17 =	vadd.f32 v18, v19  }
0x189: {  	p1 =	slt.u32 s26, $0x1C;
	[tilespmem:s12+$0xC170] =	vst v63;
	v18 =	vsub.f32 v16, v58  }
.Ltmp1:
0x18a: {  	[tilespmem:s12+$0xC1F0] =	vst v17;
	v17 =	vsub.f32 v20, v60;
	(pc) =	sbr.rel @p1 .LBB2_5-.Ltmp1, $4  }
0x18b: {  	[tilespmem:s13+$0xC070] =	vst v18;
	v18 =	vadd.f32 v61, v16  }
0x18c: {  	[tilespmem:s13+$0xC0F0] =	vst v17;
	v17 =	vadd.f32 v62, v20  }
0x18d: {  	s31 =	sadd.s32 $0x4, s26;
	[tilespmem:s13+$0xC170] =	vst v18  }
0x18e: {  	s26 =	smov.u32 s31;
	[tilespmem:s13+$0xC1F0] =	vst v17  }
0x18f: {  	s1 =	sadd.s32 @!p0 $0x3, s22  }
0x190: {  	s2 =	sshrl.u32 @!p0 s1, $0x2;
	s1 =	sshll.u32 @!p0 s1, $0x9  }
0x191: {  	s2 =	sadd.s32 @!p0 s5, s2;
	s1 =	sand.u32 @!p0 $0x600, s1  }
0x192: {  	s12 =	simm.s32 @!p0 $0x4000;
	s2 =	sshll.u32 @!p0 s2, $0xD;
	s1 =	sadd.s32 @!p0 s0, s1  }
0x193: {  	s21 =	sadd.s32 $0x1, s21;
	s1 =	sadd.s32 @!p0 s2, s1;
	s2 =	simm.s32 @!p0 $0x1000  }
0x194: {  	[tilespmem:s12], [sflag:$0x2] =	stream.strided.gather @!p0 [hbm4b:s1+s2], $0x4000, s12, s2, $0x38;
	[tilespmem:$0x12000] =	vst v63  }
0x195: {  	p0 =	sne.s32 s21, $0x4  }
.Ltmp2:
0x196: {  	_ = 	snop;
	(pc) =	sbr.rel @p0 .LBB2_2-.Ltmp2, $4  }
0x197: {  	_ = 	snop  }
0x198: {  	s30 =	sshll.u32 s24, $0xB;
	s31 =	sadd.s32 s3, s23  }
0x199: {  	s1 =	sadd.s32 s30, s31  }
0x19a: {  	[hbm4b:s1+s4] =	stream.linear.scatter [tilespmem:s17], [sflag:$0x4], $0x4000, $0x38;
	[tilespmem:$0x12000] =	vst v63  }
0x19b: {  	s20 =	sadd.s32 $0x1, s20  }
0x19c: {  	_ =	swait.ge [sflag:s18], $0x4000;
	p0 =	sne.s32 s20, s9  }
.Ltmp3:
0x19d: {  	[sflag:s18] =	ssyncset.done $0x0;
	(pc) =	sbr.rel @p0 .LBB2_1-.Ltmp3, $4  }
0x19e: {  	[sflag:s18] =	ssyncadd.s32 $0xFFFFC000  }
0x19f: {  	_ =	swait.ge [sflag:s19], $0x4000  }
0x1a0: {  	[sflag:s19] =	ssyncset.done $0x0  }
0x1a1: {  	[sflag:s19] =	ssyncadd.s32 $0xFFFFC000  }
0x1a2: {  	_ =	sfence.sel $0x180000  }
0x1a3: {  	[bflag:$0x0] =	sbarrier.arrive $0xFFFF  }
0x1a4: {  	_ =	strace $0x90000047  }
0x1a5: {  	s0 =	stileid.u32;
	[bflag:$0x2] =	sbarrier.arrive $0xFFFF  }
0x1a6: {  	p0 =	sne.s32 s0, $0x0;
	s0 =	rddreg [dreg:$0x3]  }
0x1a7: {  	s0 =	sadd.s32 @!p0 $0x100000, s0  }
0x1a8: {  	[sflag:s0] =	ssyncadd.tile.s32 @!p0 $0x1;
	_ =	shalt  }
.Lfunc_end2:
_tile_overlayer_lowered:
.L_overlay_start_2:
0x1a9: {  	(tag) =	ssettag $0x2  }
0x1aa: {  	s0 =	rddreg [dreg:$0x0];
	s2 =	stileid.u32  }
0x1ab: {  	s1 =	rddreg [dreg:$0x1];
	p0 =	sne.s32 s2, $0x0  }
0x1ac: {  	s3 =	rddreg [dreg:$0x2];
	[bflag:$0x3] =	sbarrier.arrive $0xFFFF;
	s2 =	simm.s32 @!p0 $0x1C05  }
0x1ad: {  	[timem:s3], [sflag:s2] =	dma.local @!p0 [hbm:s0], s1  }
0x1ae: {  	s0 =	simm.s32 @!p0 $0x5  }
0x1af: {  	_ =	swait.ge @!p0 [sflag:s0], s1  }
0x1b0: {  	s1 =	ssub.s32 @!p0 $0x0, s1;
	[sflag:s0] =	ssyncset.done @!p0 $0x0  }
0x1b1: {  	[sflag:s0] =	ssyncadd.s32 @!p0 s1  }
0x1b2: {  	[bflag:$0x3] =	sbarrier.arrive $0xFFFF  }
0x1b3: {  	_ =	shalt  }

</sc_bundles>
